<compile_context>
chip_gen: v7x
topology: tpu7x:2x2x1
jax: 0.10.2.dev20260603
libtpu: 0.0.44.dev20260713+nightly
codegen_flags: <defaults>
</compile_context>

<pallas_src>
import functools
import jax
import jax.numpy as jnp
from jax import lax
from jax.experimental import pallas as pl
from jax.experimental.pallas import tpu as pltpu
from jax.experimental.pallas import tpu_sc as plsc

_B = 8
_N = 4096
_S = 1024
_R = 0.2
_NS = 64
_CIN = 67
_CPAD = 128
_P = _B * _S * _NS
_EPS = 1e-5



def _fps_body(xyzt_ref, out_ref):
    X0 = xyzt_ref[:, 0, :]
    X1 = xyzt_ref[:, 1, :]
    X2 = xyzt_ref[:, 2, :]
    iota_n = jax.lax.broadcasted_iota(jnp.int32, (_B, _N), 1)

    def body(i, state):
        farthest, distance = state
        oh = (iota_n == farthest).astype(jnp.float32)
        c0 = jnp.sum(X0 * oh, axis=1, keepdims=True)
        c1 = jnp.sum(X1 * oh, axis=1, keepdims=True)
        c2 = jnp.sum(X2 * oh, axis=1, keepdims=True)
        out_ref[pl.ds(i, 1), :, :] = jnp.concatenate([c0, c1, c2], axis=1).reshape(1, _B, 3)
        d = (X0 - c0) ** 2 + (X1 - c1) ** 2 + (X2 - c2) ** 2
        distance = jnp.minimum(distance, d)
        m = jnp.max(distance, axis=1, keepdims=True)
        cand = jnp.where(distance == m, iota_n, _N)
        farthest = jnp.min(cand, axis=1, keepdims=True)
        return farthest, distance

    far0 = jnp.zeros((_B, 1), dtype=jnp.int32)
    dist0 = jnp.full((_B, _N), 1e10, dtype=jnp.float32)
    jax.lax.fori_loop(0, _S, body, (far0, dist0))


def _fps(xyzt):
    return pl.pallas_call(
        _fps_body,
        out_shape=jax.ShapeDtypeStruct((_S, _B, 3), jnp.float32),
    )(xyzt)



_RPT = _P // 32
_GCHUNK = 128


def _sc_gather(idx, tbl):
    mesh = plsc.VectorSubcoreMesh(core_axis_name="c", subcore_axis_name="s")

    nch = _RPT // _GCHUNK

    @functools.partial(
        pl.kernel,
        mesh=mesh,
        out_type=jax.ShapeDtypeStruct((_P, _CPAD), jnp.float32),
        scratch_types=[
            pltpu.VMEM((nch, _GCHUNK), jnp.int32),
            pltpu.VMEM((_GCHUNK, _CPAD), jnp.float32),
            pltpu.SemaphoreType.DMA,
        ],
    )
    def k(idx_h, tbl_h, out_h, idxv, gbuf0, sem0):
        wid = lax.axis_index("s") * 2 + lax.axis_index("c")
        base = wid * _RPT
        pltpu.sync_copy(idx_h.at[pl.ds(wid * nch, nch), :], idxv)

        def gather_body(g, carry):
            pltpu.async_copy(tbl_h.at[idxv.at[g]], gbuf0, sem0).wait()
            pltpu.sync_copy(gbuf0, out_h.at[pl.ds(base + g * _GCHUNK, _GCHUNK)])
            return carry

        lax.fori_loop(0, nch, gather_body, jnp.int32(0))

    return k(idx.reshape(_P // _GCHUNK, _GCHUNK), tbl)



_SBLK = 8


def _sel_body(xyzt_ref, nxyz_ref, idx_ref):
    b_id = pl.program_id(0)
    X0 = xyzt_ref[0, 0:1, :]
    X1 = xyzt_ref[0, 1:2, :]
    X2 = xyzt_ref[0, 2:3, :]
    nx = nxyz_ref[0]
    D = (nx[:, 0:1] - X0) ** 2 + (nx[:, 1:2] - X1) ** 2 + (nx[:, 2:3] - X2) ** 2
    mask = jnp.logical_not(D > _R * _R)
    rank = _cumsum_lanes(mask.astype(jnp.int32))
    count = rank[:, _N - 1:_N]
    rk = jnp.where(mask, rank, 0)
    jots = jax.lax.broadcasted_iota(jnp.int32, (_NS, _N), 0)
    jcol = jax.lax.broadcasted_iota(jnp.int32, (_NS, 1), 0)
    iota_col = jax.lax.broadcasted_iota(jnp.int32, (_N, 1), 0).astype(jnp.float32)
    for r in range(_SBLK):
        C = (rk[r:r + 1, :] == jots + 1).astype(jnp.float32)
        v = jnp.dot(C, iota_col, preferred_element_type=jnp.float32,
                    precision=jax.lax.Precision.HIGHEST)
        vv = jnp.where(jcol < count[r, 0], v, v[0:1, :])
        idx_ref[0, :, r:r + 1] = vv.astype(jnp.int32) + b_id * _N


def _select(xyzt, new_xyz):
    grid = (_B, _S // _SBLK)
    return pl.pallas_call(
        _sel_body,
        grid=grid,
        in_specs=[
            pl.BlockSpec((1, 3, _N), lambda b, s: (b, 0, 0)),
            pl.BlockSpec((1, _SBLK, 3), lambda b, s: (b, s, 0)),
        ],
        out_specs=pl.BlockSpec((1, _NS, _SBLK), lambda b, s: (b * (_S // _SBLK) + s, 0, 0)),
        out_shape=jax.ShapeDtypeStruct(((_B * _S) // _SBLK, _NS, _SBLK), jnp.int32),
    )(xyzt, new_xyz)




def _cumsum_lanes(x):
    c = x
    k = 1
    while k < _N:
        z = jnp.zeros(c.shape[:-1] + (k,), dtype=c.dtype)
        c = c + jnp.concatenate([z, c[..., : _N - k]], axis=-1)
        k *= 2
    return c


def _l0_body(g_ref, nxyz_ref, w_ref, b_ref, h_ref, st_ref):
    b_id = pl.program_id(0)
    s_id = pl.program_id(1)

    nx = nxyz_ref[0]
    offs = jnp.concatenate(
        [nx, jnp.zeros((_SBLK, _CPAD - 3), jnp.float32)], axis=1)
    offsf = jnp.broadcast_to(
        offs.reshape(_SBLK, 1, _CPAD), (_SBLK, _NS, _CPAD)
    ).reshape(_SBLK * _NS, _CPAD)
    lane80 = jax.lax.broadcasted_iota(jnp.int32, (1, _CPAD), 1)
    scl = jnp.where(lane80 < 3, 1.0 / _R, 1.0)

    x = (g_ref[:] - offsf) * scl
    h = jnp.dot(x, w_ref[:], preferred_element_type=jnp.float32) + b_ref[:]
    h_ref[:] = h

    ssum = jnp.sum(h, axis=0, keepdims=True)
    ssq = jnp.sum(h * h, axis=0, keepdims=True)
    upd = jnp.concatenate([ssum, ssq, jnp.zeros((6, ssum.shape[1]), jnp.float32)], axis=0)

    @pl.when(jnp.logical_and(b_id == 0, s_id == 0))
    def _():
        st_ref[:] = jnp.zeros_like(st_ref)

    st_ref[:] = st_ref[:] + upd


def _layer0(grouped, new_xyz, w0tp, b0r):
    grid = (_B, _S // _SBLK)
    cout = w0tp.shape[1]
    return pl.pallas_call(
        _l0_body,
        grid=grid,
        in_specs=[
            pl.BlockSpec((_SBLK * _NS, _CPAD), lambda b, s: (b * (_S // _SBLK) + s, 0)),
            pl.BlockSpec((1, _SBLK, 3), lambda b, s: (b, s, 0)),
            pl.BlockSpec((_CPAD, cout), lambda b, s: (0, 0)),
            pl.BlockSpec((1, cout), lambda b, s: (0, 0)),
        ],
        out_specs=[
            pl.BlockSpec((_SBLK * _NS, cout), lambda b, s: (b * (_S // _SBLK) + s, 0)),
            pl.BlockSpec((8, cout), lambda b, s: (0, 0)),
        ],
        out_shape=[
            jax.ShapeDtypeStruct((_P, cout), jnp.float32),
            jax.ShapeDtypeStruct((8, cout), jnp.float32),
        ],
    )(grouped, new_xyz, w0tp, b0r)



_TILE = 2048


def _mid_body(h_ref, st_ref, g_ref, be_ref, w_ref, b_ref, o_ref, sto_ref):
    mean = st_ref[0:1, :] / _P
    var = st_ref[1:2, :] / _P - mean * mean
    scale = g_ref[:] * jax.lax.rsqrt(var + _EPS)
    shift = be_ref[:] - mean * scale
    x = jnp.maximum(h_ref[:] * scale + shift, 0.0)
    h = jnp.dot(x, w_ref[:], preferred_element_type=jnp.float32) + b_ref[:]
    o_ref[:] = h
    ssum = jnp.sum(h, axis=0, keepdims=True)
    ssq = jnp.sum(h * h, axis=0, keepdims=True)
    upd = jnp.concatenate([ssum, ssq, jnp.zeros((6, ssum.shape[1]), jnp.float32)], axis=0)

    @pl.when(pl.program_id(0) == 0)
    def _():
        sto_ref[:] = jnp.zeros_like(sto_ref)

    sto_ref[:] = sto_ref[:] + upd


def _mid_layer(h, st, g, be, wt, br, cout):
    cin = h.shape[1]
    grid = (_P // _TILE,)
    return pl.pallas_call(
        _mid_body,
        grid=grid,
        in_specs=[
            pl.BlockSpec((_TILE, cin), lambda i: (i, 0)),
            pl.BlockSpec((8, cin), lambda i: (0, 0)),
            pl.BlockSpec((1, cin), lambda i: (0, 0)),
            pl.BlockSpec((1, cin), lambda i: (0, 0)),
            pl.BlockSpec((cin, cout), lambda i: (0, 0)),
            pl.BlockSpec((1, cout), lambda i: (0, 0)),
        ],
        out_specs=[
            pl.BlockSpec((_TILE, cout), lambda i: (i, 0)),
            pl.BlockSpec((8, cout), lambda i: (0, 0)),
        ],
        out_shape=[
            jax.ShapeDtypeStruct((_P, cout), jnp.float32),
            jax.ShapeDtypeStruct((8, cout), jnp.float32),
        ],
    )(h, st, g, be, wt, br)



def _final_body(h_ref, st_ref, g_ref, be_ref, o_ref):
    mean = st_ref[0:1, :] / _P
    var = st_ref[1:2, :] / _P - mean * mean
    scale = g_ref[:] * jax.lax.rsqrt(var + _EPS)
    shift = be_ref[:] - mean * scale
    x = jnp.maximum(h_ref[:] * scale + shift, 0.0)
    xg = x.reshape(_TILE // _NS, _NS, x.shape[1])
    o_ref[:] = jnp.max(xg, axis=1)


def _final_layer(h, st, g, be):
    cin = h.shape[1]
    grid = (_P // _TILE,)
    return pl.pallas_call(
        _final_body,
        grid=grid,
        in_specs=[
            pl.BlockSpec((_TILE, cin), lambda i: (i, 0)),
            pl.BlockSpec((8, cin), lambda i: (0, 0)),
            pl.BlockSpec((1, cin), lambda i: (0, 0)),
            pl.BlockSpec((1, cin), lambda i: (0, 0)),
        ],
        out_specs=pl.BlockSpec((_TILE // _NS, cin), lambda i: (i, 0)),
        out_shape=jax.ShapeDtypeStruct((_P // _NS, cin), jnp.float32),
    )(h, st, g, be)



@jax.jit
def kernel(xyz, points, W0, b0, g0, be0, W1, b1, g1, be1, W2, b2, g2, be2):
    xyzt = jnp.transpose(xyz, (0, 2, 1))
    nxt = _fps(xyzt)
    new_xyz = jnp.transpose(nxt, (1, 0, 2))

    tbl = jnp.concatenate(
        [xyz, points, jnp.zeros((_B, _N, _CPAD - _CIN), jnp.float32)], axis=-1)
    w0tp = jnp.concatenate(
        [W0.T, jnp.zeros((_CPAD - _CIN, W0.shape[0]), jnp.float32)], axis=0)

    idx_t = _select(xyzt, new_xyz)
    idx = jnp.transpose(idx_t, (0, 2, 1)).reshape(_P)
    grouped = _sc_gather(idx, tbl.reshape(_B * _N, _CPAD))

    h0, st0 = _layer0(grouped, new_xyz, w0tp, b0.reshape(1, -1))
    h1, st1 = _mid_layer(h0, st0, g0.reshape(1, -1), be0.reshape(1, -1),
                         W1.T, b1.reshape(1, -1), W1.shape[0])
    h2, st2 = _mid_layer(h1, st1, g1.reshape(1, -1), be1.reshape(1, -1),
                         W2.T, b2.reshape(1, -1), W2.shape[0])
    np_flat = _final_layer(h2, st2, g2.reshape(1, -1), be2.reshape(1, -1))
    new_points = np_flat.reshape(_B, _S, W2.shape[0])
    return (new_xyz, new_points)

# --- scband reference (transcript-rebuilt; emitter-appended) ---
"""Pipeline reference for scband-point-net-set-abstraction-26362509263294 (READ-ONLY COPY).

The authoritative reference and input builder live on the scoring server;
editing this copy changes nothing except your own understanding.
"""

import jax, jax.numpy as jnp
import numpy as np

NPOINT = 1024
RADIUS = 0.2
NSAMPLE = 64
IN_CH = 67
MLP = [128, 128, 256]


def farthest_point_sample(xyz, npoint):
    B, N, _ = xyz.shape
    batch_indices = jnp.arange(B)

    def body(i, state):
        centroids, distance, farthest = state
        centroids = centroids.at[:, i].set(farthest)
        centroid = xyz[batch_indices, farthest][:, None, :]
        dist = jnp.sum((xyz - centroid) ** 2, axis=-1)
        distance = jnp.minimum(distance, dist)
        farthest = jnp.argmax(distance, axis=-1).astype(jnp.int32)
        return (centroids, distance, farthest)

    centroids = jnp.zeros((B, npoint), dtype=jnp.int32)
    distance = jnp.full((B, N), 1e10, dtype=jnp.float32)
    farthest = jnp.zeros((B,), dtype=jnp.int32)
    centroids, _, _ = jax.lax.fori_loop(0, npoint, body, (centroids, distance, farthest))
    return centroids


def index_points(points, idx):
    B = points.shape[0]
    bidx = jnp.arange(B).reshape((B,) + (1,) * (idx.ndim - 1))
    return points[bidx, idx]


def query_ball_point(radius, nsample, xyz, new_xyz):
    B, N, _ = xyz.shape
    S = new_xyz.shape[1]
    sqrdists = jnp.sum((new_xyz[:, :, None, :] - xyz[:, None, :, :]) ** 2, axis=-1)
    group_idx = jnp.broadcast_to(jnp.arange(N, dtype=jnp.int32), (B, S, N))
    group_idx = jnp.where(sqrdists > radius ** 2, jnp.int32(N), group_idx)
    group_idx = jnp.sort(group_idx, axis=-1)[:, :, :nsample]
    group_first = group_idx[:, :, 0:1]
    group_idx = jnp.where(group_idx == N, group_first, group_idx)
    return group_idx


def setup_inputs(seed: int = 0) -> dict:
    key = jax.random.key(seed)
    ks = jax.random.split(key, 20)
    inp = {
        "xyz": jax.random.uniform(ks[0], (8, 4096, 3), dtype=jnp.float32),
        "points": jax.random.normal(ks[1], (8, 4096, 64), dtype=jnp.float32),
    }
    last = IN_CH
    for i, oc in enumerate(MLP):
        inp[f"W{i}"] = jax.random.normal(ks[2 + 3 * i], (oc, last), dtype=jnp.float32) * (1.0 / np.sqrt(last))
        inp[f"b{i}"] = jnp.zeros((oc,), dtype=jnp.float32)
        inp[f"g{i}"] = jnp.ones((oc,), dtype=jnp.float32)
        inp[f"be{i}"] = jnp.zeros((oc,), dtype=jnp.float32)
        last = oc
    return inp


def reference(xyz, points, W0, b0, g0, be0, W1, b1, g1, be1, W2, b2, g2, be2):
    fps_idx = farthest_point_sample(jax.lax.stop_gradient(xyz), NPOINT)
    new_xyz = index_points(xyz, fps_idx)
    idx = query_ball_point(RADIUS, NSAMPLE, xyz, new_xyz)
    grouped_xyz = index_points(xyz, idx)
    grouped_xyz_norm = (grouped_xyz - new_xyz[:, :, None, :]) / RADIUS
    grouped_points = index_points(points, idx)
    grouped_points = jnp.concatenate([grouped_xyz_norm, grouped_points], axis=-1)
    x = jnp.transpose(grouped_points, (0, 3, 2, 1))  # (B, C, nsample, S)
    for (W, b, g, be) in ((W0, b0, g0, be0), (W1, b1, g1, be1), (W2, b2, g2, be2)):
        x = jnp.einsum('oc,bcns->bons', W, x) + b[None, :, None, None]
        mean = jnp.mean(x, axis=(0, 2, 3), keepdims=True)
        var = jnp.var(x, axis=(0, 2, 3), keepdims=True)
        x = (x - mean) / jnp.sqrt(var + 1e-5)
        x = g[None, :, None, None] * x + be[None, :, None, None]
        x = jax.nn.relu(x)
    new_points = jnp.transpose(jnp.max(x, axis=2), (0, 2, 1))
    return (new_xyz, new_points)

if __name__ == "__main__":
    import jax
    _d = setup_inputs()
    print(jax.jit(kernel)(*tuple(_d.values())))

</pallas_src>

<mosaic_0001>
#map = affine_map<(d0, d1) -> (0, 0)>
module attributes {stable_mosaic.version = 14 : i64} {
  func.func @k(%arg0: i32, %arg1: i32, %arg2: memref<4096x128xi32, #tpu.memory_space<hbm>>, %arg3: memref<32768x128xf32, #tpu.memory_space<hbm>>, %arg4: memref<524288x128xf32, #tpu.memory_space<hbm>>, %arg5: memref<128x128xi32, #tpu.memory_space<vmem>>, %arg6: memref<128x128xf32, #tpu.memory_space<vmem>>, %arg7: memref<!tpu.dma_semaphore, #tpu.memory_space<semaphore_mem>>) attributes {dimension_semantics = [#tpu.dimension_semantics<core_parallel>, #tpu.dimension_semantics<subcore_parallel>], iteration_bounds = array<i64: 2, 16>, scalar_prefetch = 0 : i64, scratch_operands = 3 : i64, tpu.core_type = #tpu.core_type<sc_vector_subcore>, window_params = [{transform_indices = #map}, {transform_indices = #map}, {transform_indices = #map}]} {
    %mul3A = arith.constant 2 : i32
    %mul3A_0 = arith.muli %arg1, %mul3A : i32
    %add3A = arith.addi %mul3A_0, %arg0 : i32
    %mul3A_1 = arith.constant 16384 : i32
    %mul3A_2 = arith.muli %add3A, %mul3A_1 : i32
    %mul3A_3 = arith.constant 128 : i32
    %mul3A_4 = arith.muli %add3A, %mul3A_3 : i32
    "tpu.region"() ({
      %run_scoped3A = tpu.sem_alloc : memref<!tpu.dma_semaphore, #tpu.memory_space<semaphore_mem>>
      %dma_start3A = arith.constant 0 : i32
      %dma_start3A_10 = tpu.memref_slice %arg2[%mul3A_4, %dma_start3A] : memref<4096x128xi32, #tpu.memory_space<hbm>> -> memref<128x128xi32, #tpu.memory_space<hbm>>
      %dma_start3A_11 = arith.constant 0 : i32
      %dma_start3A_12 = tpu.memref_slice %arg2[%mul3A_4, %dma_start3A_11] : memref<4096x128xi32, #tpu.memory_space<hbm>> -> memref<128x128xi32, #tpu.memory_space<hbm>>
      tpu.enqueue_dma source(%dma_start3A_12 : memref<128x128xi32, #tpu.memory_space<hbm>>) target(%arg5 : memref<128x128xi32, #tpu.memory_space<vmem>>) target_semaphore(%run_scoped3A : memref<!tpu.dma_semaphore, #tpu.memory_space<semaphore_mem>>)
      %dma_wait3A = arith.constant 0 : i32
      %dma_wait3A_13 = tpu.memref_slice %arg2[%mul3A_4, %dma_wait3A] : memref<4096x128xi32, #tpu.memory_space<hbm>> -> memref<128x128xi32, #tpu.memory_space<hbm>>
      %dma_wait3A_14 = arith.constant 0 : i32
      %dma_wait3A_15 = tpu.memref_slice %arg2[%mul3A_4, %dma_wait3A_14] : memref<4096x128xi32, #tpu.memory_space<hbm>> -> memref<128x128xi32, #tpu.memory_space<hbm>>
      tpu.wait_dma2 semaphore(%run_scoped3A : memref<!tpu.dma_semaphore, #tpu.memory_space<semaphore_mem>>) src(%dma_wait3A_15 : memref<128x128xi32, #tpu.memory_space<hbm>>) dst(%arg5 : memref<128x128xi32, #tpu.memory_space<vmem>>)
      tpu.yield
    }) : () -> ()
    %scan3A = arith.constant 0 : i32
    %scan3A_5 = arith.constant 0 : i32
    %scan3A_6 = arith.constant 128 : i32
    %scan3A_7 = arith.addi %scan3A_5, %scan3A_6 : i32
    %scan3A_8 = arith.constant 1 : i32
    scf.for %scan3A_10 = %scan3A_5 to %scan3A_7 step %scan3A_8  : i32 {
      %dma_start3A = arith.constant 0 : i32
      %dma_start3A_11 = tpu.memref_slice %arg5[%scan3A_10, %dma_start3A] : memref<128x128xi32, #tpu.memory_space<vmem>> -> memref<1x128xi32, #tpu.memory_space<vmem>>
      %dma_start3A_12 = tpu.memref_squeeze %dma_start3A_11 : memref<1x128xi32, #tpu.memory_space<vmem>> -> memref<128xi32, #tpu.memory_space<vmem>>
      %dma_start3A_13 = arith.constant 0 : i32
      %dma_start3A_14 = arith.constant 0 : i32
      %dma_start3A_15 = tpu.memref_slice %arg3[%dma_start3A_13, %dma_start3A_14] : memref<32768x128xf32, #tpu.memory_space<hbm>> -> memref<32768x128xf32, #tpu.memory_space<hbm>>
      tpu.enqueue_indirect_dma source(%dma_start3A_15 : memref<32768x128xf32, #tpu.memory_space<hbm>>) target(%arg6 : memref<128x128xf32, #tpu.memory_space<vmem>>) offsets(%dma_start3A_12 : memref<128xi32, #tpu.memory_space<vmem>>) semaphore(%arg7 : memref<!tpu.dma_semaphore, #tpu.memory_space<semaphore_mem>>)
      %dma_wait3A = arith.constant 0 : i32
      %dma_wait3A_16 = tpu.memref_slice %arg5[%scan3A_10, %dma_wait3A] : memref<128x128xi32, #tpu.memory_space<vmem>> -> memref<1x128xi32, #tpu.memory_space<vmem>>
      %dma_wait3A_17 = tpu.memref_squeeze %dma_wait3A_16 : memref<1x128xi32, #tpu.memory_space<vmem>> -> memref<128xi32, #tpu.memory_space<vmem>>
      %dma_wait3A_18 = arith.constant 0 : i32
      %dma_wait3A_19 = arith.constant 0 : i32
      %dma_wait3A_20 = tpu.memref_slice %arg3[%dma_wait3A_18, %dma_wait3A_19] : memref<32768x128xf32, #tpu.memory_space<hbm>> -> memref<32768x128xf32, #tpu.memory_space<hbm>>
      tpu.wait_indirect_dma semaphore(%arg7 : memref<!tpu.dma_semaphore, #tpu.memory_space<semaphore_mem>>) src(%dma_wait3A_20 : memref<32768x128xf32, #tpu.memory_space<hbm>>) dst(%arg6 : memref<128x128xf32, #tpu.memory_space<vmem>>)
      %mul3A_21 = arith.constant 128 : i32
      %mul3A_22 = arith.muli %scan3A_10, %mul3A_21 : i32
      %add3A_23 = arith.addi %mul3A_2, %mul3A_22 : i32
      "tpu.region"() ({
        %run_scoped3A = tpu.sem_alloc : memref<!tpu.dma_semaphore, #tpu.memory_space<semaphore_mem>>
        %dma_start3A_24 = arith.constant 0 : i32
        %dma_start3A_25 = tpu.memref_slice %arg4[%add3A_23, %dma_start3A_24] : memref<524288x128xf32, #tpu.memory_space<hbm>> -> memref<128x128xf32, #tpu.memory_space<hbm>>
        %dma_start3A_26 = arith.constant 0 : i32
        %dma_start3A_27 = tpu.memref_slice %arg4[%add3A_23, %dma_start3A_26] : memref<524288x128xf32, #tpu.memory_space<hbm>> -> memref<128x128xf32, #tpu.memory_space<hbm>>
        tpu.enqueue_dma source(%arg6 : memref<128x128xf32, #tpu.memory_space<vmem>>) target(%dma_start3A_27 : memref<128x128xf32, #tpu.memory_space<hbm>>) target_semaphore(%run_scoped3A : memref<!tpu.dma_semaphore, #tpu.memory_space<semaphore_mem>>)
        %dma_wait3A_28 = arith.constant 0 : i32
        %dma_wait3A_29 = tpu.memref_slice %arg4[%add3A_23, %dma_wait3A_28] : memref<524288x128xf32, #tpu.memory_space<hbm>> -> memref<128x128xf32, #tpu.memory_space<hbm>>
        %dma_wait3A_30 = arith.constant 0 : i32
        %dma_wait3A_31 = tpu.memref_slice %arg4[%add3A_23, %dma_wait3A_30] : memref<524288x128xf32, #tpu.memory_space<hbm>> -> memref<128x128xf32, #tpu.memory_space<hbm>>
        tpu.wait_dma2 semaphore(%run_scoped3A : memref<!tpu.dma_semaphore, #tpu.memory_space<semaphore_mem>>) src(%arg6 : memref<128x128xf32, #tpu.memory_space<vmem>>) dst(%dma_wait3A_31 : memref<128x128xf32, #tpu.memory_space<hbm>>)
        tpu.yield
      }) : () -> ()
    }
    %scan3A_9 = arith.constant 128 : i32
    return
  }
}

module attributes {stable_mosaic.version = 14 : i64} {
  func.func @_fps_body(%arg0: memref<8x3x4096xf32, #tpu.memory_space<vmem>>, %arg1: memref<1024x8x3xf32, #tpu.memory_space<vmem>>) attributes {dimension_semantics = [], scalar_prefetch = 0 : i64, scratch_operands = 0 : i64, tpu.core_type = #tpu.core_type<tc>} {
    %get3A = arith.constant 0 : index
    %get3A_0 = arith.constant 0 : index
    %get3A_1 = arith.constant 0 : index
    %get3A_2 = vector.load %arg0[%get3A, %get3A_0, %get3A_1] : memref<8x3x4096xf32, #tpu.memory_space<vmem>>, vector<8x1x4096xf32>
    %get3A_3 = vector.shape_cast %get3A_2 : vector<8x1x4096xf32> to vector<8x4096xf32>
    %get3A_4 = arith.constant 0 : index
    %get3A_5 = arith.constant 1 : index
    %get3A_6 = arith.constant 0 : index
    %get3A_7 = vector.load %arg0[%get3A_4, %get3A_5, %get3A_6] : memref<8x3x4096xf32, #tpu.memory_space<vmem>>, vector<8x1x4096xf32>
    %get3A_8 = vector.shape_cast %get3A_7 : vector<8x1x4096xf32> to vector<8x4096xf32>
    %get3A_9 = arith.constant 0 : index
    %get3A_10 = arith.constant 2 : index
    %get3A_11 = arith.constant 0 : index
    %get3A_12 = vector.load %arg0[%get3A_9, %get3A_10, %get3A_11] : memref<8x3x4096xf32, #tpu.memory_space<vmem>>, vector<8x1x4096xf32>
    %get3A_13 = vector.shape_cast %get3A_12 : vector<8x1x4096xf32> to vector<8x4096xf32>
    %iota3A = tpu.iota {dimensions = array<i32: 1>} : vector<8x4096xi32>
    %broadcast_in_dim3A = arith.constant 0 : i32
    %broadcast_in_dim3A_14 = vector.broadcast %broadcast_in_dim3A : i32 to vector<8x1xi32>
    %broadcast_in_dim3A_15 = arith.constant 1.000000e+10 : f32
    %broadcast_in_dim3A_16 = vector.broadcast %broadcast_in_dim3A_15 : f32 to vector<8x4096xf32>
    %scan3A = arith.constant 0 : i32
    %scan3A_17 = arith.constant 1024 : i32
    %scan3A_18 = arith.addi %scan3A, %scan3A_17 : i32
    %scan3A_19 = arith.constant 1 : i32
    %scan3A_20:2 = scf.for %scan3A_22 = %scan3A to %scan3A_18 step %scan3A_19 iter_args(%scan3A_23 = %broadcast_in_dim3A_14, %scan3A_24 = %broadcast_in_dim3A_16) -> (vector<8x1xi32>, vector<8x4096xf32>)  : i32 {
      %eq3A = vector.broadcast %scan3A_23 : vector<8x1xi32> to vector<8x4096xi32>
      %eq3A_25 = arith.cmpi eq, %iota3A, %eq3A : vector<8x4096xi32>
      %convert_element_type3A = arith.extui %eq3A_25 : vector<8x4096xi1> to vector<8x4096xi32>
      %convert_element_type3A_26 = arith.sitofp %convert_element_type3A : vector<8x4096xi32> to vector<8x4096xf32>
      %mul3A = arith.mulf %get3A_3, %convert_element_type3A_26 : vector<8x4096xf32>
      %reduce_sum3A = arith.constant dense<0.000000e+00> : vector<8xf32>
      %reduce_sum3A_27 = vector.multi_reduction <add>, %mul3A, %reduce_sum3A [1] : vector<8x4096xf32> to vector<8xf32>
      %broadcast_in_dim3A_28 = vector.shape_cast %reduce_sum3A_27 : vector<8xf32> to vector<8x1xf32>
      %mul3A_29 = arith.mulf %get3A_8, %convert_element_type3A_26 : vector<8x4096xf32>
      %reduce_sum3A_30 = arith.constant dense<0.000000e+00> : vector<8xf32>
      %reduce_sum3A_31 = vector.multi_reduction <add>, %mul3A_29, %reduce_sum3A_30 [1] : vector<8x4096xf32> to vector<8xf32>
      %broadcast_in_dim3A_32 = vector.shape_cast %reduce_sum3A_31 : vector<8xf32> to vector<8x1xf32>
      %mul3A_33 = arith.mulf %get3A_13, %convert_element_type3A_26 : vector<8x4096xf32>
      %reduce_sum3A_34 = arith.constant dense<0.000000e+00> : vector<8xf32>
      %reduce_sum3A_35 = vector.multi_reduction <add>, %mul3A_33, %reduce_sum3A_34 [1] : vector<8x4096xf32> to vector<8xf32>
      %broadcast_in_dim3A_36 = vector.shape_cast %reduce_sum3A_35 : vector<8xf32> to vector<8x1xf32>
      %concatenate3A = tpu.concatenate %broadcast_in_dim3A_28, %broadcast_in_dim3A_32, %broadcast_in_dim3A_36 in 1 : vector<8x1xf32>, vector<8x1xf32>, vector<8x1xf32> -> vector<8x3xf32>
      %reshape3A = vector.shape_cast %concatenate3A : vector<8x3xf32> to vector<1x8x3xf32>
      %swap3A = arith.index_cast %scan3A_22 : i32 to index
      %swap3A_37 = arith.constant 0 : index
      %swap3A_38 = arith.constant 0 : index
      %swap3A_39 = vector.load %arg1[%swap3A, %swap3A_37, %swap3A_38] : memref<1024x8x3xf32, #tpu.memory_space<vmem>>, vector<1x8x3xf32>
      tpu.vector_store %arg1[%swap3A, %swap3A_37, %swap3A_38], %reshape3A {strides = array<i32>} : memref<1024x8x3xf32, #tpu.memory_space<vmem>>, vector<1x8x3xf32>,
      %sub3A = vector.broadcast %broadcast_in_dim3A_28 : vector<8x1xf32> to vector<8x4096xf32>
      %sub3A_40 = arith.subf %get3A_3, %sub3A : vector<8x4096xf32>
      %integer_pow3A = arith.mulf %sub3A_40, %sub3A_40 : vector<8x4096xf32>
      %sub3A_41 = vector.broadcast %broadcast_in_dim3A_32 : vector<8x1xf32> to vector<8x4096xf32>
      %sub3A_42 = arith.subf %get3A_8, %sub3A_41 : vector<8x4096xf32>
      %integer_pow3A_43 = arith.mulf %sub3A_42, %sub3A_42 : vector<8x4096xf32>
      %add3A = arith.addf %integer_pow3A, %integer_pow3A_43 : vector<8x4096xf32>
      %sub3A_44 = vector.broadcast %broadcast_in_dim3A_36 : vector<8x1xf32> to vector<8x4096xf32>
      %sub3A_45 = arith.subf %get3A_13, %sub3A_44 : vector<8x4096xf32>
      %integer_pow3A_46 = arith.mulf %sub3A_45, %sub3A_45 : vector<8x4096xf32>
      %add3A_47 = arith.addf %add3A, %integer_pow3A_46 : vector<8x4096xf32>
      %min3A = arith.minimumf %scan3A_24, %add3A_47 : vector<8x4096xf32>
      %reduce_max3A = arith.constant dense<0xFF800000> : vector<8xf32>
      %reduce_max3A_48 = vector.multi_reduction <maximumf>, %min3A, %reduce_max3A [1] : vector<8x4096xf32> to vector<8xf32>
      %broadcast_in_dim3A_49 = vector.shape_cast %reduce_max3A_48 : vector<8xf32> to vector<8x1xf32>
      %eq3A_50 = vector.broadcast %broadcast_in_dim3A_49 : vector<8x1xf32> to vector<8x4096xf32>
      %eq3A_51 = arith.cmpf oeq, %min3A, %eq3A_50 : vector<8x4096xf32>
      %jit3A = arith.constant 4096 : i32
      %broadcast_in_dim3A_52 = vector.broadcast %jit3A : i32 to vector<8x4096xi32>
      %select_n3A = arith.select %eq3A_51, %iota3A, %broadcast_in_dim3A_52 : vector<8x4096xi1>, vector<8x4096xi32>
      %reduce_min3A = arith.constant dense<2147483647> : vector<8xi32>
      %reduce_min3A_53 = vector.multi_reduction <minsi>, %select_n3A, %reduce_min3A [1] : vector<8x4096xi32> to vector<8xi32>
      %broadcast_in_dim3A_54 = vector.shape_cast %reduce_min3A_53 : vector<8xi32> to vector<8x1xi32>
      scf.yield %broadcast_in_dim3A_54, %min3A : vector<8x1xi32>, vector<8x4096xf32>
    }
    %scan3A_21 = arith.constant 1024 : i32
    return
  }
}

module attributes {stable_mosaic.version = 14 : i64} {
  func.func @_sel_body(%arg0: i32, %arg1: i32, %arg2: memref<1x3x4096xf32, #tpu.memory_space<vmem>>, %arg3: memref<1x8x3xf32, #tpu.memory_space<vmem>>, %arg4: memref<1x64x8xi32, #tpu.memory_space<vmem>>) attributes {dimension_semantics = [#tpu.dimension_semantics<arbitrary>, #tpu.dimension_semantics<arbitrary>], iteration_bounds = array<i64: 8, 128>, scalar_prefetch = 0 : i64, scratch_operands = 0 : i64, tpu.core_type = #tpu.core_type<tc>, window_params = [{transform_indices = @transform_0, window_bounds = array<i64: 1, 3, 4096>}, {transform_indices = @transform_1, window_bounds = array<i64: 1, 8, 3>}, {transform_indices = @transform_2, window_bounds = array<i64: 1, 64, 8>}]} {
    %get3A = arith.constant 0 : index
    %get3A_0 = arith.constant 0 : index
    %get3A_1 = arith.constant 0 : index
    %get3A_2 = vector.load %arg2[%get3A, %get3A_0, %get3A_1] : memref<1x3x4096xf32, #tpu.memory_space<vmem>>, vector<1x1x4096xf32>
    %get3A_3 = vector.shape_cast %get3A_2 : vector<1x1x4096xf32> to vector<1x4096xf32>
    %get3A_4 = arith.constant 0 : index
    %get3A_5 = arith.constant 1 : index
    %get3A_6 = arith.constant 0 : index
    %get3A_7 = vector.load %arg2[%get3A_4, %get3A_5, %get3A_6] : memref<1x3x4096xf32, #tpu.memory_space<vmem>>, vector<1x1x4096xf32>
    %get3A_8 = vector.shape_cast %get3A_7 : vector<1x1x4096xf32> to vector<1x4096xf32>
    %get3A_9 = arith.constant 0 : index
    %get3A_10 = arith.constant 2 : index
    %get3A_11 = arith.constant 0 : index
    %get3A_12 = vector.load %arg2[%get3A_9, %get3A_10, %get3A_11] : memref<1x3x4096xf32, #tpu.memory_space<vmem>>, vector<1x1x4096xf32>
    %get3A_13 = vector.shape_cast %get3A_12 : vector<1x1x4096xf32> to vector<1x4096xf32>
    %get3A_14 = arith.constant 0 : index
    %get3A_15 = arith.constant 0 : index
    %get3A_16 = arith.constant 0 : index
    %get3A_17 = vector.load %arg3[%get3A_14, %get3A_15, %get3A_16] : memref<1x8x3xf32, #tpu.memory_space<vmem>>, vector<1x8x3xf32>
    %get3A_18 = vector.shape_cast %get3A_17 : vector<1x8x3xf32> to vector<8x3xf32>
    %slice3A = vector.extract_strided_slice %get3A_18 {offsets = [0, 0], sizes = [8, 1], strides = [1, 1]} : vector<8x3xf32> to vector<8x1xf32>
    %sub3A = vector.broadcast %slice3A : vector<8x1xf32> to vector<8x4096xf32>
    %sub3A_19 = vector.broadcast %get3A_3 : vector<1x4096xf32> to vector<8x4096xf32>
    %sub3A_20 = arith.subf %sub3A, %sub3A_19 : vector<8x4096xf32>
    %integer_pow3A = arith.mulf %sub3A_20, %sub3A_20 : vector<8x4096xf32>
    %slice3A_21 = vector.extract_strided_slice %get3A_18 {offsets = [0, 1], sizes = [8, 1], strides = [1, 1]} : vector<8x3xf32> to vector<8x1xf32>
    %sub3A_22 = vector.broadcast %slice3A_21 : vector<8x1xf32> to vector<8x4096xf32>
    %sub3A_23 = vector.broadcast %get3A_8 : vector<1x4096xf32> to vector<8x4096xf32>
    %sub3A_24 = arith.subf %sub3A_22, %sub3A_23 : vector<8x4096xf32>
    %integer_pow3A_25 = arith.mulf %sub3A_24, %sub3A_24 : vector<8x4096xf32>
    %add3A = arith.addf %integer_pow3A, %integer_pow3A_25 : vector<8x4096xf32>
    %slice3A_26 = vector.extract_strided_slice %get3A_18 {offsets = [0, 2], sizes = [8, 1], strides = [1, 1]} : vector<8x3xf32> to vector<8x1xf32>
    %sub3A_27 = vector.broadcast %slice3A_26 : vector<8x1xf32> to vector<8x4096xf32>
    %sub3A_28 = vector.broadcast %get3A_13 : vector<1x4096xf32> to vector<8x4096xf32>
    %sub3A_29 = arith.subf %sub3A_27, %sub3A_28 : vector<8x4096xf32>
    %integer_pow3A_30 = arith.mulf %sub3A_29, %sub3A_29 : vector<8x4096xf32>
    %add3A_31 = arith.addf %add3A, %integer_pow3A_30 : vector<8x4096xf32>
    %gt3A = arith.constant 4.000000e-02 : f32
    %gt3A_32 = vector.broadcast %gt3A : f32 to vector<8x4096xf32>
    %gt3A_33 = arith.cmpf ogt, %add3A_31, %gt3A_32 : vector<8x4096xf32>
    %not3A = arith.constant dense<true> : vector<8x4096xi1>
    %not3A_34 = arith.xori %gt3A_33, %not3A : vector<8x4096xi1>
    %convert_element_type3A = arith.extui %not3A_34 : vector<8x4096xi1> to vector<8x4096xi32>
    %broadcast_in_dim3A = arith.constant 0 : i32
    %broadcast_in_dim3A_35 = vector.broadcast %broadcast_in_dim3A : i32 to vector<8x1xi32>
    %slice3A_36 = vector.extract_strided_slice %convert_element_type3A {offsets = [0, 0], sizes = [8, 4095], strides = [1, 1]} : vector<8x4096xi32> to vector<8x4095xi32>
    %concatenate3A = tpu.concatenate %broadcast_in_dim3A_35, %slice3A_36 in 1 : vector<8x1xi32>, vector<8x4095xi32> -> vector<8x4096xi32>
    %add3A_37 = arith.addi %convert_element_type3A, %concatenate3A : vector<8x4096xi32>
    %broadcast_in_dim3A_38 = arith.constant 0 : i32
    %broadcast_in_dim3A_39 = vector.broadcast %broadcast_in_dim3A_38 : i32 to vector<8x2xi32>
    %slice3A_40 = vector.extract_strided_slice %add3A_37 {offsets = [0, 0], sizes = [8, 4094], strides = [1, 1]} : vector<8x4096xi32> to vector<8x4094xi32>
    %concatenate3A_41 = tpu.concatenate %broadcast_in_dim3A_39, %slice3A_40 in 1 : vector<8x2xi32>, vector<8x4094xi32> -> vector<8x4096xi32>
    %add3A_42 = arith.addi %add3A_37, %concatenate3A_41 : vector<8x4096xi32>
    %broadcast_in_dim3A_43 = arith.constant 0 : i32
    %broadcast_in_dim3A_44 = vector.broadcast %broadcast_in_dim3A_43 : i32 to vector<8x4xi32>
    %slice3A_45 = vector.extract_strided_slice %add3A_42 {offsets = [0, 0], sizes = [8, 4092], strides = [1, 1]} : vector<8x4096xi32> to vector<8x4092xi32>
    %concatenate3A_46 = tpu.concatenate %broadcast_in_dim3A_44, %slice3A_45 in 1 : vector<8x4xi32>, vector<8x4092xi32> -> vector<8x4096xi32>
    %add3A_47 = arith.addi %add3A_42, %concatenate3A_46 : vector<8x4096xi32>
    %broadcast_in_dim3A_48 = arith.constant 0 : i32
    %broadcast_in_dim3A_49 = vector.broadcast %broadcast_in_dim3A_48 : i32 to vector<8x8xi32>
    %slice3A_50 = vector.extract_strided_slice %add3A_47 {offsets = [0, 0], sizes = [8, 4088], strides = [1, 1]} : vector<8x4096xi32> to vector<8x4088xi32>
    %concatenate3A_51 = tpu.concatenate %broadcast_in_dim3A_49, %slice3A_50 in 1 : vector<8x8xi32>, vector<8x4088xi32> -> vector<8x4096xi32>
    %add3A_52 = arith.addi %add3A_47, %concatenate3A_51 : vector<8x4096xi32>
    %broadcast_in_dim3A_53 = arith.constant 0 : i32
    %broadcast_in_dim3A_54 = vector.broadcast %broadcast_in_dim3A_53 : i32 to vector<8x16xi32>
    %slice3A_55 = vector.extract_strided_slice %add3A_52 {offsets = [0, 0], sizes = [8, 4080], strides = [1, 1]} : vector<8x4096xi32> to vector<8x4080xi32>
    %concatenate3A_56 = tpu.concatenate %broadcast_in_dim3A_54, %slice3A_55 in 1 : vector<8x16xi32>, vector<8x4080xi32> -> vector<8x4096xi32>
    %add3A_57 = arith.addi %add3A_52, %concatenate3A_56 : vector<8x4096xi32>
    %broadcast_in_dim3A_58 = arith.constant 0 : i32
    %broadcast_in_dim3A_59 = vector.broadcast %broadcast_in_dim3A_58 : i32 to vector<8x32xi32>
    %slice3A_60 = vector.extract_strided_slice %add3A_57 {offsets = [0, 0], sizes = [8, 4064], strides = [1, 1]} : vector<8x4096xi32> to vector<8x4064xi32>
    %concatenate3A_61 = tpu.concatenate %broadcast_in_dim3A_59, %slice3A_60 in 1 : vector<8x32xi32>, vector<8x4064xi32> -> vector<8x4096xi32>
    %add3A_62 = arith.addi %add3A_57, %concatenate3A_61 : vector<8x4096xi32>
    %broadcast_in_dim3A_63 = arith.constant 0 : i32
    %broadcast_in_dim3A_64 = vector.broadcast %broadcast_in_dim3A_63 : i32 to vector<8x64xi32>
    %slice3A_65 = vector.extract_strided_slice %add3A_62 {offsets = [0, 0], sizes = [8, 4032], strides = [1, 1]} : vector<8x4096xi32> to vector<8x4032xi32>
    %concatenate3A_66 = tpu.concatenate %broadcast_in_dim3A_64, %slice3A_65 in 1 : vector<8x64xi32>, vector<8x4032xi32> -> vector<8x4096xi32>
    %add3A_67 = arith.addi %add3A_62, %concatenate3A_66 : vector<8x4096xi32>
    %broadcast_in_dim3A_68 = arith.constant 0 : i32
    %broadcast_in_dim3A_69 = vector.broadcast %broadcast_in_dim3A_68 : i32 to vector<8x128xi32>
    %slice3A_70 = vector.extract_strided_slice %add3A_67 {offsets = [0, 0], sizes = [8, 3968], strides = [1, 1]} : vector<8x4096xi32> to vector<8x3968xi32>
    %concatenate3A_71 = tpu.concatenate %broadcast_in_dim3A_69, %slice3A_70 in 1 : vector<8x128xi32>, vector<8x3968xi32> -> vector<8x4096xi32>
    %add3A_72 = arith.addi %add3A_67, %concatenate3A_71 : vector<8x4096xi32>
    %broadcast_in_dim3A_73 = arith.constant 0 : i32
    %broadcast_in_dim3A_74 = vector.broadcast %broadcast_in_dim3A_73 : i32 to vector<8x256xi32>
    %slice3A_75 = vector.extract_strided_slice %add3A_72 {offsets = [0, 0], sizes = [8, 3840], strides = [1, 1]} : vector<8x4096xi32> to vector<8x3840xi32>
    %concatenate3A_76 = tpu.concatenate %broadcast_in_dim3A_74, %slice3A_75 in 1 : vector<8x256xi32>, vector<8x3840xi32> -> vector<8x4096xi32>
    %add3A_77 = arith.addi %add3A_72, %concatenate3A_76 : vector<8x4096xi32>
    %broadcast_in_dim3A_78 = arith.constant 0 : i32
    %broadcast_in_dim3A_79 = vector.broadcast %broadcast_in_dim3A_78 : i32 to vector<8x512xi32>
    %slice3A_80 = vector.extract_strided_slice %add3A_77 {offsets = [0, 0], sizes = [8, 3584], strides = [1, 1]} : vector<8x4096xi32> to vector<8x3584xi32>
    %concatenate3A_81 = tpu.concatenate %broadcast_in_dim3A_79, %slice3A_80 in 1 : vector<8x512xi32>, vector<8x3584xi32> -> vector<8x4096xi32>
    %add3A_82 = arith.addi %add3A_77, %concatenate3A_81 : vector<8x4096xi32>
    %broadcast_in_dim3A_83 = arith.constant 0 : i32
    %broadcast_in_dim3A_84 = vector.broadcast %broadcast_in_dim3A_83 : i32 to vector<8x1024xi32>
    %slice3A_85 = vector.extract_strided_slice %add3A_82 {offsets = [0, 0], sizes = [8, 3072], strides = [1, 1]} : vector<8x4096xi32> to vector<8x3072xi32>
    %concatenate3A_86 = tpu.concatenate %broadcast_in_dim3A_84, %slice3A_85 in 1 : vector<8x1024xi32>, vector<8x3072xi32> -> vector<8x4096xi32>
    %add3A_87 = arith.addi %add3A_82, %concatenate3A_86 : vector<8x4096xi32>
    %broadcast_in_dim3A_88 = arith.constant 0 : i32
    %broadcast_in_dim3A_89 = vector.broadcast %broadcast_in_dim3A_88 : i32 to vector<8x2048xi32>
    %slice3A_90 = vector.extract_strided_slice %add3A_87 {offsets = [0, 0], sizes = [8, 2048], strides = [1, 1]} : vector<8x4096xi32> to vector<8x2048xi32>
    %concatenate3A_91 = tpu.concatenate %broadcast_in_dim3A_89, %slice3A_90 in 1 : vector<8x2048xi32>, vector<8x2048xi32> -> vector<8x4096xi32>
    %add3A_92 = arith.addi %add3A_87, %concatenate3A_91 : vector<8x4096xi32>
    %slice3A_93 = vector.extract_strided_slice %add3A_92 {offsets = [0, 4095], sizes = [8, 1], strides = [1, 1]} : vector<8x4096xi32> to vector<8x1xi32>
    %jit3A = arith.constant 0 : i32
    %broadcast_in_dim3A_94 = vector.broadcast %jit3A : i32 to vector<8x4096xi32>
    %select_n3A = arith.select %not3A_34, %add3A_92, %broadcast_in_dim3A_94 : vector<8x4096xi1>, vector<8x4096xi32>
    %iota3A = tpu.iota {dimensions = array<i32: 0>} : vector<64x4096xi32>
    %iota3A_95 = tpu.iota {dimensions = array<i32: 0>} : vector<64x1xi32>
    %iota3A_96 = tpu.iota {dimensions = array<i32: 0>} : vector<4096x1xi32>
    %convert_element_type3A_97 = arith.sitofp %iota3A_96 : vector<4096x1xi32> to vector<4096x1xf32>
    %slice3A_98 = vector.extract_strided_slice %select_n3A {offsets = [0, 0], sizes = [1, 4096], strides = [1, 1]} : vector<8x4096xi32> to vector<1x4096xi32>
    %add3A_99 = arith.constant 1 : i32
    %add3A_100 = vector.broadcast %add3A_99 : i32 to vector<64x4096xi32>
    %add3A_101 = arith.addi %iota3A, %add3A_100 : vector<64x4096xi32>
    %eq3A = vector.broadcast %slice3A_98 : vector<1x4096xi32> to vector<64x4096xi32>
    %eq3A_102 = arith.cmpi eq, %eq3A, %add3A_101 : vector<64x4096xi32>
    %convert_element_type3A_103 = arith.extui %eq3A_102 : vector<64x4096xi1> to vector<64x4096xi32>
    %convert_element_type3A_104 = arith.sitofp %convert_element_type3A_103 : vector<64x4096xi32> to vector<64x4096xf32>
    %dot_general3A = arith.constant dense<0.000000e+00> : vector<64x1xf32>
    %dot_general3A_105 = tpu.matmul %convert_element_type3A_104, %convert_element_type3A_97, %dot_general3A {dimension_numbers = #tpu.dot_dimension_numbers<[1], [0], [0], [1], [0, 0, 1, 1], [], []>, precision = #tpu.contract_precision<fp32>, transpose_lhs_hint = false} : vector<64x4096xf32>, vector<4096x1xf32>, vector<64x1xf32> -> vector<64x1xf32>
    %slice3A_106 = vector.extract_strided_slice %slice3A_93 {offsets = [0, 0], sizes = [1, 1], strides = [1, 1]} : vector<8x1xi32> to vector<1x1xi32>
    %squeeze3A = vector.extract %slice3A_106[0, 0] : i32 from vector<1x1xi32>
    %lt3A = vector.broadcast %squeeze3A : i32 to vector<64x1xi32>
    %lt3A_107 = arith.cmpi slt, %iota3A_95, %lt3A : vector<64x1xi32>
    %slice3A_108 = vector.extract_strided_slice %dot_general3A_105 {offsets = [0, 0], sizes = [1, 1], strides = [1, 1]} : vector<64x1xf32> to vector<1x1xf32>
    %broadcast_in_dim3A_109 = vector.shape_cast %slice3A_108 : vector<1x1xf32> to vector<1x1xf32>
    %broadcast_in_dim3A_110 = vector.broadcast %broadcast_in_dim3A_109 : vector<1x1xf32> to vector<64x1xf32>
    %select_n3A_111 = arith.select %lt3A_107, %dot_general3A_105, %broadcast_in_dim3A_110 : vector<64x1xi1>, vector<64x1xf32>
    %convert_element_type3A_112 = arith.fptosi %select_n3A_111 : vector<64x1xf32> to vector<64x1xi32>
    %mul3A = arith.constant 4096 : i32
    %mul3A_113 = arith.muli %arg0, %mul3A : i32
    %add3A_114 = vector.broadcast %mul3A_113 : i32 to vector<64x1xi32>
    %add3A_115 = arith.addi %convert_element_type3A_112, %add3A_114 : vector<64x1xi32>
    %swap3A = arith.constant 0 : index
    %swap3A_116 = arith.constant 0 : index
    %swap3A_117 = arith.constant 0 : index
    %swap3A_118 = vector.load %arg4[%swap3A, %swap3A_116, %swap3A_117] : memref<1x64x8xi32, #tpu.memory_space<vmem>>, vector<1x64x1xi32>
    %swap3A_119 = vector.shape_cast %swap3A_118 : vector<1x64x1xi32> to vector<64x1xi32>
    %swap3A_120 = vector.shape_cast %add3A_115 : vector<64x1xi32> to vector<1x64x1xi32>
    tpu.vector_store %arg4[%swap3A, %swap3A_116, %swap3A_117], %swap3A_120 {strides = array<i32>} : memref<1x64x8xi32, #tpu.memory_space<vmem>>, vector<1x64x1xi32>,
    %slice3A_121 = vector.extract_strided_slice %select_n3A {offsets = [1, 0], sizes = [1, 4096], strides = [1, 1]} : vector<8x4096xi32> to vector<1x4096xi32>
    %add3A_122 = arith.constant 1 : i32
    %add3A_123 = vector.broadcast %add3A_122 : i32 to vector<64x4096xi32>
    %add3A_124 = arith.addi %iota3A, %add3A_123 : vector<64x4096xi32>
    %eq3A_125 = vector.broadcast %slice3A_121 : vector<1x4096xi32> to vector<64x4096xi32>
    %eq3A_126 = arith.cmpi eq, %eq3A_125, %add3A_124 : vector<64x4096xi32>
    %convert_element_type3A_127 = arith.extui %eq3A_126 : vector<64x4096xi1> to vector<64x4096xi32>
    %convert_element_type3A_128 = arith.sitofp %convert_element_type3A_127 : vector<64x4096xi32> to vector<64x4096xf32>
    %dot_general3A_129 = arith.constant dense<0.000000e+00> : vector<64x1xf32>
    %dot_general3A_130 = tpu.matmul %convert_element_type3A_128, %convert_element_type3A_97, %dot_general3A_129 {dimension_numbers = #tpu.dot_dimension_numbers<[1], [0], [0], [1], [0, 0, 1, 1], [], []>, precision = #tpu.contract_precision<fp32>, transpose_lhs_hint = false} : vector<64x4096xf32>, vector<4096x1xf32>, vector<64x1xf32> -> vector<64x1xf32>
    %slice3A_131 = vector.extract_strided_slice %slice3A_93 {offsets = [1, 0], sizes = [1, 1], strides = [1, 1]} : vector<8x1xi32> to vector<1x1xi32>
    %squeeze3A_132 = vector.extract %slice3A_131[0, 0] : i32 from vector<1x1xi32>
    %lt3A_133 = vector.broadcast %squeeze3A_132 : i32 to vector<64x1xi32>
    %lt3A_134 = arith.cmpi slt, %iota3A_95, %lt3A_133 : vector<64x1xi32>
    %slice3A_135 = vector.extract_strided_slice %dot_general3A_130 {offsets = [0, 0], sizes = [1, 1], strides = [1, 1]} : vector<64x1xf32> to vector<1x1xf32>
    %broadcast_in_dim3A_136 = vector.shape_cast %slice3A_135 : vector<1x1xf32> to vector<1x1xf32>
    %broadcast_in_dim3A_137 = vector.broadcast %broadcast_in_dim3A_136 : vector<1x1xf32> to vector<64x1xf32>
    %select_n3A_138 = arith.select %lt3A_134, %dot_general3A_130, %broadcast_in_dim3A_137 : vector<64x1xi1>, vector<64x1xf32>
    %convert_element_type3A_139 = arith.fptosi %select_n3A_138 : vector<64x1xf32> to vector<64x1xi32>
    %mul3A_140 = arith.constant 4096 : i32
    %mul3A_141 = arith.muli %arg0, %mul3A_140 : i32
    %add3A_142 = vector.broadcast %mul3A_141 : i32 to vector<64x1xi32>
    %add3A_143 = arith.addi %convert_element_type3A_139, %add3A_142 : vector<64x1xi32>
    %swap3A_144 = arith.constant 0 : index
    %swap3A_145 = arith.constant 0 : index
    %swap3A_146 = arith.constant 1 : index
    %swap3A_147 = vector.load %arg4[%swap3A_144, %swap3A_145, %swap3A_146] : memref<1x64x8xi32, #tpu.memory_space<vmem>>, vector<1x64x1xi32>
    %swap3A_148 = vector.shape_cast %swap3A_147 : vector<1x64x1xi32> to vector<64x1xi32>
    %swap3A_149 = vector.shape_cast %add3A_143 : vector<64x1xi32> to vector<1x64x1xi32>
    tpu.vector_store %arg4[%swap3A_144, %swap3A_145, %swap3A_146], %swap3A_149 {strides = array<i32>} : memref<1x64x8xi32, #tpu.memory_space<vmem>>, vector<1x64x1xi32>,
    %slice3A_150 = vector.extract_strided_slice %select_n3A {offsets = [2, 0], sizes = [1, 4096], strides = [1, 1]} : vector<8x4096xi32> to vector<1x4096xi32>
    %add3A_151 = arith.constant 1 : i32
    %add3A_152 = vector.broadcast %add3A_151 : i32 to vector<64x4096xi32>
    %add3A_153 = arith.addi %iota3A, %add3A_152 : vector<64x4096xi32>
    %eq3A_154 = vector.broadcast %slice3A_150 : vector<1x4096xi32> to vector<64x4096xi32>
    %eq3A_155 = arith.cmpi eq, %eq3A_154, %add3A_153 : vector<64x4096xi32>
    %convert_element_type3A_156 = arith.extui %eq3A_155 : vector<64x4096xi1> to vector<64x4096xi32>
    %convert_element_type3A_157 = arith.sitofp %convert_element_type3A_156 : vector<64x4096xi32> to vector<64x4096xf32>
    %dot_general3A_158 = arith.constant dense<0.000000e+00> : vector<64x1xf32>
    %dot_general3A_159 = tpu.matmul %convert_element_type3A_157, %convert_element_type3A_97, %dot_general3A_158 {dimension_numbers = #tpu.dot_dimension_numbers<[1], [0], [0], [1], [0, 0, 1, 1], [], []>, precision = #tpu.contract_precision<fp32>, transpose_lhs_hint = false} : vector<64x4096xf32>, vector<4096x1xf32>, vector<64x1xf32> -> vector<64x1xf32>
    %slice3A_160 = vector.extract_strided_slice %slice3A_93 {offsets = [2, 0], sizes = [1, 1], strides = [1, 1]} : vector<8x1xi32> to vector<1x1xi32>
    %squeeze3A_161 = vector.extract %slice3A_160[0, 0] : i32 from vector<1x1xi32>
    %lt3A_162 = vector.broadcast %squeeze3A_161 : i32 to vector<64x1xi32>
    %lt3A_163 = arith.cmpi slt, %iota3A_95, %lt3A_162 : vector<64x1xi32>
    %slice3A_164 = vector.extract_strided_slice %dot_general3A_159 {offsets = [0, 0], sizes = [1, 1], strides = [1, 1]} : vector<64x1xf32> to vector<1x1xf32>
    %broadcast_in_dim3A_165 = vector.shape_cast %slice3A_164 : vector<1x1xf32> to vector<1x1xf32>
    %broadcast_in_dim3A_166 = vector.broadcast %broadcast_in_dim3A_165 : vector<1x1xf32> to vector<64x1xf32>
    %select_n3A_167 = arith.select %lt3A_163, %dot_general3A_159, %broadcast_in_dim3A_166 : vector<64x1xi1>, vector<64x1xf32>
    %convert_element_type3A_168 = arith.fptosi %select_n3A_167 : vector<64x1xf32> to vector<64x1xi32>
    %mul3A_169 = arith.constant 4096 : i32
    %mul3A_170 = arith.muli %arg0, %mul3A_169 : i32
    %add3A_171 = vector.broadcast %mul3A_170 : i32 to vector<64x1xi32>
    %add3A_172 = arith.addi %convert_element_type3A_168, %add3A_171 : vector<64x1xi32>
    %swap3A_173 = arith.constant 0 : index
    %swap3A_174 = arith.constant 0 : index
    %swap3A_175 = arith.constant 2 : index
    %swap3A_176 = vector.load %arg4[%swap3A_173, %swap3A_174, %swap3A_175] : memref<1x64x8xi32, #tpu.memory_space<vmem>>, vector<1x64x1xi32>
    %swap3A_177 = vector.shape_cast %swap3A_176 : vector<1x64x1xi32> to vector<64x1xi32>
    %swap3A_178 = vector.shape_cast %add3A_172 : vector<64x1xi32> to vector<1x64x1xi32>
    tpu.vector_store %arg4[%swap3A_173, %swap3A_174, %swap3A_175], %swap3A_178 {strides = array<i32>} : memref<1x64x8xi32, #tpu.memory_space<vmem>>, vector<1x64x1xi32>,
    %slice3A_179 = vector.extract_strided_slice %select_n3A {offsets = [3, 0], sizes = [1, 4096], strides = [1, 1]} : vector<8x4096xi32> to vector<1x4096xi32>
    %add3A_180 = arith.constant 1 : i32
    %add3A_181 = vector.broadcast %add3A_180 : i32 to vector<64x4096xi32>
    %add3A_182 = arith.addi %iota3A, %add3A_181 : vector<64x4096xi32>
    %eq3A_183 = vector.broadcast %slice3A_179 : vector<1x4096xi32> to vector<64x4096xi32>
    %eq3A_184 = arith.cmpi eq, %eq3A_183, %add3A_182 : vector<64x4096xi32>
    %convert_element_type3A_185 = arith.extui %eq3A_184 : vector<64x4096xi1> to vector<64x4096xi32>
    %convert_element_type3A_186 = arith.sitofp %convert_element_type3A_185 : vector<64x4096xi32> to vector<64x4096xf32>
    %dot_general3A_187 = arith.constant dense<0.000000e+00> : vector<64x1xf32>
    %dot_general3A_188 = tpu.matmul %convert_element_type3A_186, %convert_element_type3A_97, %dot_general3A_187 {dimension_numbers = #tpu.dot_dimension_numbers<[1], [0], [0], [1], [0, 0, 1, 1], [], []>, precision = #tpu.contract_precision<fp32>, transpose_lhs_hint = false} : vector<64x4096xf32>, vector<4096x1xf32>, vector<64x1xf32> -> vector<64x1xf32>
    %slice3A_189 = vector.extract_strided_slice %slice3A_93 {offsets = [3, 0], sizes = [1, 1], strides = [1, 1]} : vector<8x1xi32> to vector<1x1xi32>
    %squeeze3A_190 = vector.extract %slice3A_189[0, 0] : i32 from vector<1x1xi32>
    %lt3A_191 = vector.broadcast %squeeze3A_190 : i32 to vector<64x1xi32>
    %lt3A_192 = arith.cmpi slt, %iota3A_95, %lt3A_191 : vector<64x1xi32>
    %slice3A_193 = vector.extract_strided_slice %dot_general3A_188 {offsets = [0, 0], sizes = [1, 1], strides = [1, 1]} : vector<64x1xf32> to vector<1x1xf32>
    %broadcast_in_dim3A_194 = vector.shape_cast %slice3A_193 : vector<1x1xf32> to vector<1x1xf32>
    %broadcast_in_dim3A_195 = vector.broadcast %broadcast_in_dim3A_194 : vector<1x1xf32> to vector<64x1xf32>
    %select_n3A_196 = arith.select %lt3A_192, %dot_general3A_188, %broadcast_in_dim3A_195 : vector<64x1xi1>, vector<64x1xf32>
    %convert_element_type3A_197 = arith.fptosi %select_n3A_196 : vector<64x1xf32> to vector<64x1xi32>
    %mul3A_198 = arith.constant 4096 : i32
    %mul3A_199 = arith.muli %arg0, %mul3A_198 : i32
    %add3A_200 = vector.broadcast %mul3A_199 : i32 to vector<64x1xi32>
    %add3A_201 = arith.addi %convert_element_type3A_197, %add3A_200 : vector<64x1xi32>
    %swap3A_202 = arith.constant 0 : index
    %swap3A_203 = arith.constant 0 : index
    %swap3A_204 = arith.constant 3 : index
    %swap3A_205 = vector.load %arg4[%swap3A_202, %swap3A_203, %swap3A_204] : memref<1x64x8xi32, #tpu.memory_space<vmem>>, vector<1x64x1xi32>
    %swap3A_206 = vector.shape_cast %swap3A_205 : vector<1x64x1xi32> to vector<64x1xi32>
    %swap3A_207 = vector.shape_cast %add3A_201 : vector<64x1xi32> to vector<1x64x1xi32>
    tpu.vector_store %arg4[%swap3A_202, %swap3A_203, %swap3A_204], %swap3A_207 {strides = array<i32>} : memref<1x64x8xi32, #tpu.memory_space<vmem>>, vector<1x64x1xi32>,
    %slice3A_208 = vector.extract_strided_slice %select_n3A {offsets = [4, 0], sizes = [1, 4096], strides = [1, 1]} : vector<8x4096xi32> to vector<1x4096xi32>
    %add3A_209 = arith.constant 1 : i32
    %add3A_210 = vector.broadcast %add3A_209 : i32 to vector<64x4096xi32>
    %add3A_211 = arith.addi %iota3A, %add3A_210 : vector<64x4096xi32>
    %eq3A_212 = vector.broadcast %slice3A_208 : vector<1x4096xi32> to vector<64x4096xi32>
    %eq3A_213 = arith.cmpi eq, %eq3A_212, %add3A_211 : vector<64x4096xi32>
    %convert_element_type3A_214 = arith.extui %eq3A_213 : vector<64x4096xi1> to vector<64x4096xi32>
    %convert_element_type3A_215 = arith.sitofp %convert_element_type3A_214 : vector<64x4096xi32> to vector<64x4096xf32>
    %dot_general3A_216 = arith.constant dense<0.000000e+00> : vector<64x1xf32>
    %dot_general3A_217 = tpu.matmul %convert_element_type3A_215, %convert_element_type3A_97, %dot_general3A_216 {dimension_numbers = #tpu.dot_dimension_numbers<[1], [0], [0], [1], [0, 0, 1, 1], [], []>, precision = #tpu.contract_precision<fp32>, transpose_lhs_hint = false} : vector<64x4096xf32>, vector<4096x1xf32>, vector<64x1xf32> -> vector<64x1xf32>
    %slice3A_218 = vector.extract_strided_slice %slice3A_93 {offsets = [4, 0], sizes = [1, 1], strides = [1, 1]} : vector<8x1xi32> to vector<1x1xi32>
    %squeeze3A_219 = vector.extract %slice3A_218[0, 0] : i32 from vector<1x1xi32>
    %lt3A_220 = vector.broadcast %squeeze3A_219 : i32 to vector<64x1xi32>
    %lt3A_221 = arith.cmpi slt, %iota3A_95, %lt3A_220 : vector<64x1xi32>
    %slice3A_222 = vector.extract_strided_slice %dot_general3A_217 {offsets = [0, 0], sizes = [1, 1], strides = [1, 1]} : vector<64x1xf32> to vector<1x1xf32>
    %broadcast_in_dim3A_223 = vector.shape_cast %slice3A_222 : vector<1x1xf32> to vector<1x1xf32>
    %broadcast_in_dim3A_224 = vector.broadcast %broadcast_in_dim3A_223 : vector<1x1xf32> to vector<64x1xf32>
    %select_n3A_225 = arith.select %lt3A_221, %dot_general3A_217, %broadcast_in_dim3A_224 : vector<64x1xi1>, vector<64x1xf32>
    %convert_element_type3A_226 = arith.fptosi %select_n3A_225 : vector<64x1xf32> to vector<64x1xi32>
    %mul3A_227 = arith.constant 4096 : i32
    %mul3A_228 = arith.muli %arg0, %mul3A_227 : i32
    %add3A_229 = vector.broadcast %mul3A_228 : i32 to vector<64x1xi32>
    %add3A_230 = arith.addi %convert_element_type3A_226, %add3A_229 : vector<64x1xi32>
    %swap3A_231 = arith.constant 0 : index
    %swap3A_232 = arith.constant 0 : index
    %swap3A_233 = arith.constant 4 : index
    %swap3A_234 = vector.load %arg4[%swap3A_231, %swap3A_232, %swap3A_233] : memref<1x64x8xi32, #tpu.memory_space<vmem>>, vector<1x64x1xi32>
    %swap3A_235 = vector.shape_cast %swap3A_234 : vector<1x64x1xi32> to vector<64x1xi32>
    %swap3A_236 = vector.shape_cast %add3A_230 : vector<64x1xi32> to vector<1x64x1xi32>
    tpu.vector_store %arg4[%swap3A_231, %swap3A_232, %swap3A_233], %swap3A_236 {strides = array<i32>} : memref<1x64x8xi32, #tpu.memory_space<vmem>>, vector<1x64x1xi32>,
    %slice3A_237 = vector.extract_strided_slice %select_n3A {offsets = [5, 0], sizes = [1, 4096], strides = [1, 1]} : vector<8x4096xi32> to vector<1x4096xi32>
    %add3A_238 = arith.constant 1 : i32
    %add3A_239 = vector.broadcast %add3A_238 : i32 to vector<64x4096xi32>
    %add3A_240 = arith.addi %iota3A, %add3A_239 : vector<64x4096xi32>
    %eq3A_241 = vector.broadcast %slice3A_237 : vector<1x4096xi32> to vector<64x4096xi32>
    %eq3A_242 = arith.cmpi eq, %eq3A_241, %add3A_240 : vector<64x4096xi32>
    %convert_element_type3A_243 = arith.extui %eq3A_242 : vector<64x4096xi1> to vector<64x4096xi32>
    %convert_element_type3A_244 = arith.sitofp %convert_element_type3A_243 : vector<64x4096xi32> to vector<64x4096xf32>
    %dot_general3A_245 = arith.constant dense<0.000000e+00> : vector<64x1xf32>
    %dot_general3A_246 = tpu.matmul %convert_element_type3A_244, %convert_element_type3A_97, %dot_general3A_245 {dimension_numbers = #tpu.dot_dimension_numbers<[1], [0], [0], [1], [0, 0, 1, 1], [], []>, precision = #tpu.contract_precision<fp32>, transpose_lhs_hint = false} : vector<64x4096xf32>, vector<4096x1xf32>, vector<64x1xf32> -> vector<64x1xf32>
    %slice3A_247 = vector.extract_strided_slice %slice3A_93 {offsets = [5, 0], sizes = [1, 1], strides = [1, 1]} : vector<8x1xi32> to vector<1x1xi32>
    %squeeze3A_248 = vector.extract %slice3A_247[0, 0] : i32 from vector<1x1xi32>
    %lt3A_249 = vector.broadcast %squeeze3A_248 : i32 to vector<64x1xi32>
    %lt3A_250 = arith.cmpi slt, %iota3A_95, %lt3A_249 : vector<64x1xi32>
    %slice3A_251 = vector.extract_strided_slice %dot_general3A_246 {offsets = [0, 0], sizes = [1, 1], strides = [1, 1]} : vector<64x1xf32> to vector<1x1xf32>
    %broadcast_in_dim3A_252 = vector.shape_cast %slice3A_251 : vector<1x1xf32> to vector<1x1xf32>
    %broadcast_in_dim3A_253 = vector.broadcast %broadcast_in_dim3A_252 : vector<1x1xf32> to vector<64x1xf32>
    %select_n3A_254 = arith.select %lt3A_250, %dot_general3A_246, %broadcast_in_dim3A_253 : vector<64x1xi1>, vector<64x1xf32>
    %convert_element_type3A_255 = arith.fptosi %select_n3A_254 : vector<64x1xf32> to vector<64x1xi32>
    %mul3A_256 = arith.constant 4096 : i32
    %mul3A_257 = arith.muli %arg0, %mul3A_256 : i32
    %add3A_258 = vector.broadcast %mul3A_257 : i32 to vector<64x1xi32>
    %add3A_259 = arith.addi %convert_element_type3A_255, %add3A_258 : vector<64x1xi32>
    %swap3A_260 = arith.constant 0 : index
    %swap3A_261 = arith.constant 0 : index
    %swap3A_262 = arith.constant 5 : index
    %swap3A_263 = vector.load %arg4[%swap3A_260, %swap3A_261, %swap3A_262] : memref<1x64x8xi32, #tpu.memory_space<vmem>>, vector<1x64x1xi32>
    %swap3A_264 = vector.shape_cast %swap3A_263 : vector<1x64x1xi32> to vector<64x1xi32>
    %swap3A_265 = vector.shape_cast %add3A_259 : vector<64x1xi32> to vector<1x64x1xi32>
    tpu.vector_store %arg4[%swap3A_260, %swap3A_261, %swap3A_262], %swap3A_265 {strides = array<i32>} : memref<1x64x8xi32, #tpu.memory_space<vmem>>, vector<1x64x1xi32>,
    %slice3A_266 = vector.extract_strided_slice %select_n3A {offsets = [6, 0], sizes = [1, 4096], strides = [1, 1]} : vector<8x4096xi32> to vector<1x4096xi32>
    %add3A_267 = arith.constant 1 : i32
    %add3A_268 = vector.broadcast %add3A_267 : i32 to vector<64x4096xi32>
    %add3A_269 = arith.addi %iota3A, %add3A_268 : vector<64x4096xi32>
    %eq3A_270 = vector.broadcast %slice3A_266 : vector<1x4096xi32> to vector<64x4096xi32>
    %eq3A_271 = arith.cmpi eq, %eq3A_270, %add3A_269 : vector<64x4096xi32>
    %convert_element_type3A_272 = arith.extui %eq3A_271 : vector<64x4096xi1> to vector<64x4096xi32>
    %convert_element_type3A_273 = arith.sitofp %convert_element_type3A_272 : vector<64x4096xi32> to vector<64x4096xf32>
    %dot_general3A_274 = arith.constant dense<0.000000e+00> : vector<64x1xf32>
    %dot_general3A_275 = tpu.matmul %convert_element_type3A_273, %convert_element_type3A_97, %dot_general3A_274 {dimension_numbers = #tpu.dot_dimension_numbers<[1], [0], [0], [1], [0, 0, 1, 1], [], []>, precision = #tpu.contract_precision<fp32>, transpose_lhs_hint = false} : vector<64x4096xf32>, vector<4096x1xf32>, vector<64x1xf32> -> vector<64x1xf32>
    %slice3A_276 = vector.extract_strided_slice %slice3A_93 {offsets = [6, 0], sizes = [1, 1], strides = [1, 1]} : vector<8x1xi32> to vector<1x1xi32>
    %squeeze3A_277 = vector.extract %slice3A_276[0, 0] : i32 from vector<1x1xi32>
    %lt3A_278 = vector.broadcast %squeeze3A_277 : i32 to vector<64x1xi32>
    %lt3A_279 = arith.cmpi slt, %iota3A_95, %lt3A_278 : vector<64x1xi32>
    %slice3A_280 = vector.extract_strided_slice %dot_general3A_275 {offsets = [0, 0], sizes = [1, 1], strides = [1, 1]} : vector<64x1xf32> to vector<1x1xf32>
    %broadcast_in_dim3A_281 = vector.shape_cast %slice3A_280 : vector<1x1xf32> to vector<1x1xf32>
    %broadcast_in_dim3A_282 = vector.broadcast %broadcast_in_dim3A_281 : vector<1x1xf32> to vector<64x1xf32>
    %select_n3A_283 = arith.select %lt3A_279, %dot_general3A_275, %broadcast_in_dim3A_282 : vector<64x1xi1>, vector<64x1xf32>
    %convert_element_type3A_284 = arith.fptosi %select_n3A_283 : vector<64x1xf32> to vector<64x1xi32>
    %mul3A_285 = arith.constant 4096 : i32
    %mul3A_286 = arith.muli %arg0, %mul3A_285 : i32
    %add3A_287 = vector.broadcast %mul3A_286 : i32 to vector<64x1xi32>
    %add3A_288 = arith.addi %convert_element_type3A_284, %add3A_287 : vector<64x1xi32>
    %swap3A_289 = arith.constant 0 : index
    %swap3A_290 = arith.constant 0 : index
    %swap3A_291 = arith.constant 6 : index
    %swap3A_292 = vector.load %arg4[%swap3A_289, %swap3A_290, %swap3A_291] : memref<1x64x8xi32, #tpu.memory_space<vmem>>, vector<1x64x1xi32>
    %swap3A_293 = vector.shape_cast %swap3A_292 : vector<1x64x1xi32> to vector<64x1xi32>
    %swap3A_294 = vector.shape_cast %add3A_288 : vector<64x1xi32> to vector<1x64x1xi32>
    tpu.vector_store %arg4[%swap3A_289, %swap3A_290, %swap3A_291], %swap3A_294 {strides = array<i32>} : memref<1x64x8xi32, #tpu.memory_space<vmem>>, vector<1x64x1xi32>,
    %slice3A_295 = vector.extract_strided_slice %select_n3A {offsets = [7, 0], sizes = [1, 4096], strides = [1, 1]} : vector<8x4096xi32> to vector<1x4096xi32>
    %add3A_296 = arith.constant 1 : i32
    %add3A_297 = vector.broadcast %add3A_296 : i32 to vector<64x4096xi32>
    %add3A_298 = arith.addi %iota3A, %add3A_297 : vector<64x4096xi32>
    %eq3A_299 = vector.broadcast %slice3A_295 : vector<1x4096xi32> to vector<64x4096xi32>
    %eq3A_300 = arith.cmpi eq, %eq3A_299, %add3A_298 : vector<64x4096xi32>
    %convert_element_type3A_301 = arith.extui %eq3A_300 : vector<64x4096xi1> to vector<64x4096xi32>
    %convert_element_type3A_302 = arith.sitofp %convert_element_type3A_301 : vector<64x4096xi32> to vector<64x4096xf32>
    %dot_general3A_303 = arith.constant dense<0.000000e+00> : vector<64x1xf32>
    %dot_general3A_304 = tpu.matmul %convert_element_type3A_302, %convert_element_type3A_97, %dot_general3A_303 {dimension_numbers = #tpu.dot_dimension_numbers<[1], [0], [0], [1], [0, 0, 1, 1], [], []>, precision = #tpu.contract_precision<fp32>, transpose_lhs_hint = false} : vector<64x4096xf32>, vector<4096x1xf32>, vector<64x1xf32> -> vector<64x1xf32>
    %slice3A_305 = vector.extract_strided_slice %slice3A_93 {offsets = [7, 0], sizes = [1, 1], strides = [1, 1]} : vector<8x1xi32> to vector<1x1xi32>
    %squeeze3A_306 = vector.extract %slice3A_305[0, 0] : i32 from vector<1x1xi32>
    %lt3A_307 = vector.broadcast %squeeze3A_306 : i32 to vector<64x1xi32>
    %lt3A_308 = arith.cmpi slt, %iota3A_95, %lt3A_307 : vector<64x1xi32>
    %slice3A_309 = vector.extract_strided_slice %dot_general3A_304 {offsets = [0, 0], sizes = [1, 1], strides = [1, 1]} : vector<64x1xf32> to vector<1x1xf32>
    %broadcast_in_dim3A_310 = vector.shape_cast %slice3A_309 : vector<1x1xf32> to vector<1x1xf32>
    %broadcast_in_dim3A_311 = vector.broadcast %broadcast_in_dim3A_310 : vector<1x1xf32> to vector<64x1xf32>
    %select_n3A_312 = arith.select %lt3A_308, %dot_general3A_304, %broadcast_in_dim3A_311 : vector<64x1xi1>, vector<64x1xf32>
    %convert_element_type3A_313 = arith.fptosi %select_n3A_312 : vector<64x1xf32> to vector<64x1xi32>
    %mul3A_314 = arith.constant 4096 : i32
    %mul3A_315 = arith.muli %arg0, %mul3A_314 : i32
    %add3A_316 = vector.broadcast %mul3A_315 : i32 to vector<64x1xi32>
    %add3A_317 = arith.addi %convert_element_type3A_313, %add3A_316 : vector<64x1xi32>
    %swap3A_318 = arith.constant 0 : index
    %swap3A_319 = arith.constant 0 : index
    %swap3A_320 = arith.constant 7 : index
    %swap3A_321 = vector.load %arg4[%swap3A_318, %swap3A_319, %swap3A_320] : memref<1x64x8xi32, #tpu.memory_space<vmem>>, vector<1x64x1xi32>
    %swap3A_322 = vector.shape_cast %swap3A_321 : vector<1x64x1xi32> to vector<64x1xi32>
    %swap3A_323 = vector.shape_cast %add3A_317 : vector<64x1xi32> to vector<1x64x1xi32>
    tpu.vector_store %arg4[%swap3A_318, %swap3A_319, %swap3A_320], %swap3A_323 {strides = array<i32>} : memref<1x64x8xi32, #tpu.memory_space<vmem>>, vector<1x64x1xi32>,
    return
  }
  func.func @transform_0(%arg0: i32, %arg1: i32) -> (i32, i32, i32) {
    %c0_i32 = arith.constant 0 : i32
    %c0_i32_0 = arith.constant 0 : i32
    %c0_i32_1 = arith.constant 0 : i32
    return %arg0, %c0_i32, %c0_i32_0 : i32, i32, i32
  }
  func.func @transform_1(%arg0: i32, %arg1: i32) -> (i32, i32, i32) {
    %c0_i32 = arith.constant 0 : i32
    %c0_i32_0 = arith.constant 0 : i32
    return %arg0, %arg1, %c0_i32 : i32, i32, i32
  }
  func.func @transform_2(%arg0: i32, %arg1: i32) -> (i32, i32, i32) {
    %mul3A = arith.constant 128 : i32
    %mul3A_0 = arith.muli %arg0, %mul3A : i32
    %add3A = arith.addi %mul3A_0, %arg1 : i32
    %c0_i32 = arith.constant 0 : i32
    %c0_i32_1 = arith.constant 0 : i32
    %c0_i32_2 = arith.constant 0 : i32
    return %add3A, %c0_i32, %c0_i32_1 : i32, i32, i32
  }
}

module attributes {stable_mosaic.version = 14 : i64} {
  func.func @_mid_body(%arg0: i32, %arg1: memref<2048x128xf32, #tpu.memory_space<vmem>>, %arg2: memref<8x128xf32, #tpu.memory_space<vmem>>, %arg3: memref<1x128xf32, #tpu.memory_space<vmem>>, %arg4: memref<1x128xf32, #tpu.memory_space<vmem>>, %arg5: memref<128x128xf32, #tpu.memory_space<vmem>>, %arg6: memref<1x128xf32, #tpu.memory_space<vmem>>, %arg7: memref<2048x128xf32, #tpu.memory_space<vmem>>, %arg8: memref<8x128xf32, #tpu.memory_space<vmem>>) attributes {dimension_semantics = [#tpu.dimension_semantics<arbitrary>], iteration_bounds = array<i64: 256>, scalar_prefetch = 0 : i64, scratch_operands = 0 : i64, tpu.core_type = #tpu.core_type<tc>, window_params = [{transform_indices = @transform_0, window_bounds = array<i64: 2048, 128>}, {pipeline_mode = #tpu.pipeline_mode<synchronous>, transform_indices = @transform_1, window_bounds = array<i64: 8, 128>}, {pipeline_mode = #tpu.pipeline_mode<synchronous>, transform_indices = @transform_2, window_bounds = array<i64: 1, 128>}, {pipeline_mode = #tpu.pipeline_mode<synchronous>, transform_indices = @transform_3, window_bounds = array<i64: 1, 128>}, {pipeline_mode = #tpu.pipeline_mode<synchronous>, transform_indices = @transform_4, window_bounds = array<i64: 128, 128>}, {pipeline_mode = #tpu.pipeline_mode<synchronous>, transform_indices = @transform_5, window_bounds = array<i64: 1, 128>}, {transform_indices = @transform_6, window_bounds = array<i64: 2048, 128>}, {pipeline_mode = #tpu.pipeline_mode<synchronous>, transform_indices = @transform_7, window_bounds = array<i64: 8, 128>}]} {
    %get3A = arith.constant 0 : index
    %get3A_0 = arith.constant 0 : index
    %get3A_1 = vector.load %arg2[%get3A, %get3A_0] : memref<8x128xf32, #tpu.memory_space<vmem>>, vector<1x128xf32>
    %div3A = arith.constant 5.242880e+05 : f32
    %div3A_2 = vector.broadcast %div3A : f32 to vector<1x128xf32>
    %div3A_3 = arith.divf %get3A_1, %div3A_2 : vector<1x128xf32>
    %get3A_4 = arith.constant 1 : index
    %get3A_5 = arith.constant 0 : index
    %get3A_6 = vector.load %arg2[%get3A_4, %get3A_5] : memref<8x128xf32, #tpu.memory_space<vmem>>, vector<1x128xf32>
    %div3A_7 = arith.constant 5.242880e+05 : f32
    %div3A_8 = vector.broadcast %div3A_7 : f32 to vector<1x128xf32>
    %div3A_9 = arith.divf %get3A_6, %div3A_8 : vector<1x128xf32>
    %mul3A = arith.mulf %div3A_3, %div3A_3 : vector<1x128xf32>
    %sub3A = arith.subf %div3A_9, %mul3A : vector<1x128xf32>
    %get3A_10 = arith.constant 0 : index
    %get3A_11 = arith.constant 0 : index
    %get3A_12 = vector.load %arg3[%get3A_10, %get3A_11] : memref<1x128xf32, #tpu.memory_space<vmem>>, vector<1x128xf32>
    %add3A = arith.constant 9.99999974E-6 : f32
    %add3A_13 = vector.broadcast %add3A : f32 to vector<1x128xf32>
    %add3A_14 = arith.addf %sub3A, %add3A_13 : vector<1x128xf32>
    %rsqrt3A = math.rsqrt %add3A_14 : vector<1x128xf32>
    %mul3A_15 = arith.mulf %get3A_12, %rsqrt3A : vector<1x128xf32>
    %get3A_16 = arith.constant 0 : index
    %get3A_17 = arith.constant 0 : index
    %get3A_18 = vector.load %arg4[%get3A_16, %get3A_17] : memref<1x128xf32, #tpu.memory_space<vmem>>, vector<1x128xf32>
    %mul3A_19 = arith.mulf %div3A_3, %mul3A_15 : vector<1x128xf32>
    %sub3A_20 = arith.subf %get3A_18, %mul3A_19 : vector<1x128xf32>
    %get3A_21 = arith.constant 0 : index
    %get3A_22 = arith.constant 0 : index
    %get3A_23 = vector.load %arg1[%get3A_21, %get3A_22] : memref<2048x128xf32, #tpu.memory_space<vmem>>, vector<2048x128xf32>
    %mul3A_24 = vector.broadcast %mul3A_15 : vector<1x128xf32> to vector<2048x128xf32>
    %mul3A_25 = arith.mulf %get3A_23, %mul3A_24 : vector<2048x128xf32>
    %add3A_26 = vector.broadcast %sub3A_20 : vector<1x128xf32> to vector<2048x128xf32>
    %add3A_27 = arith.addf %mul3A_25, %add3A_26 : vector<2048x128xf32>
    %max3A = arith.constant 0.000000e+00 : f32
    %max3A_28 = vector.broadcast %max3A : f32 to vector<2048x128xf32>
    %max3A_29 = arith.maximumf %add3A_27, %max3A_28 : vector<2048x128xf32>
    %get3A_30 = arith.constant 0 : index
    %get3A_31 = arith.constant 0 : index
    %get3A_32 = vector.load %arg5[%get3A_30, %get3A_31] : memref<128x128xf32, #tpu.memory_space<vmem>>, vector<128x128xf32>
    %dot_general3A = arith.constant dense<0.000000e+00> : vector<2048x128xf32>
    %dot_general3A_33 = tpu.matmul %max3A_29, %get3A_32, %dot_general3A {dimension_numbers = #tpu.dot_dimension_numbers<[1], [0], [0], [1], [0, 0, 1, 1], [], []>, transpose_lhs_hint = false} : vector<2048x128xf32>, vector<128x128xf32>, vector<2048x128xf32> -> vector<2048x128xf32>
    %get3A_34 = arith.constant 0 : index
    %get3A_35 = arith.constant 0 : index
    %get3A_36 = vector.load %arg6[%get3A_34, %get3A_35] : memref<1x128xf32, #tpu.memory_space<vmem>>, vector<1x128xf32>
    %add3A_37 = vector.broadcast %get3A_36 : vector<1x128xf32> to vector<2048x128xf32>
    %add3A_38 = arith.addf %dot_general3A_33, %add3A_37 : vector<2048x128xf32>
    %swap3A = arith.constant 0 : index
    %swap3A_39 = arith.constant 0 : index
    %swap3A_40 = vector.load %arg7[%swap3A, %swap3A_39] : memref<2048x128xf32, #tpu.memory_space<vmem>>, vector<2048x128xf32>
    tpu.vector_store %arg7[%swap3A, %swap3A_39], %add3A_38 {strides = array<i32>} : memref<2048x128xf32, #tpu.memory_space<vmem>>, vector<2048x128xf32>,
    %reduce_sum3A = arith.constant dense<0.000000e+00> : vector<128xf32>
    %reduce_sum3A_41 = vector.multi_reduction <add>, %add3A_38, %reduce_sum3A [0] : vector<2048x128xf32> to vector<128xf32>
    %broadcast_in_dim3A = vector.shape_cast %reduce_sum3A_41 : vector<128xf32> to vector<1x128xf32>
    %mul3A_42 = arith.mulf %add3A_38, %add3A_38 : vector<2048x128xf32>
    %reduce_sum3A_43 = arith.constant dense<0.000000e+00> : vector<128xf32>
    %reduce_sum3A_44 = vector.multi_reduction <add>, %mul3A_42, %reduce_sum3A_43 [0] : vector<2048x128xf32> to vector<128xf32>
    %broadcast_in_dim3A_45 = vector.shape_cast %reduce_sum3A_44 : vector<128xf32> to vector<1x128xf32>
    %broadcast_in_dim3A_46 = arith.constant 0.000000e+00 : f32
    %broadcast_in_dim3A_47 = vector.broadcast %broadcast_in_dim3A_46 : f32 to vector<6x128xf32>
    %concatenate3A = tpu.concatenate %broadcast_in_dim3A, %broadcast_in_dim3A_45, %broadcast_in_dim3A_47 in 0 : vector<1x128xf32>, vector<1x128xf32>, vector<6x128xf32> -> vector<8x128xf32>
    %eq3A = arith.constant 0 : i32
    %eq3A_48 = arith.cmpi eq, %arg0, %eq3A : i32
    %convert_element_type3A = arith.extui %eq3A_48 : i1 to i32
    %cond3A = arith.constant 0 : i32
    %cond3A_49 = arith.cmpi ne, %convert_element_type3A, %cond3A : i32
    scf.if %cond3A_49 {
      %broadcast_in_dim3A_57 = arith.constant 0.000000e+00 : f32
      %broadcast_in_dim3A_58 = vector.broadcast %broadcast_in_dim3A_57 : f32 to vector<8x128xf32>
      %swap3A_59 = arith.constant 0 : index
      %swap3A_60 = arith.constant 0 : index
      %swap3A_61 = vector.load %arg8[%swap3A_59, %swap3A_60] : memref<8x128xf32, #tpu.memory_space<vmem>>, vector<8x128xf32>
      tpu.vector_store %arg8[%swap3A_59, %swap3A_60], %broadcast_in_dim3A_58 {strides = array<i32>} : memref<8x128xf32, #tpu.memory_space<vmem>>, vector<8x128xf32>,
    } else {
    }
    %get3A_50 = arith.constant 0 : index
    %get3A_51 = arith.constant 0 : index
    %get3A_52 = vector.load %arg8[%get3A_50, %get3A_51] : memref<8x128xf32, #tpu.memory_space<vmem>>, vector<8x128xf32>
    %add3A_53 = arith.addf %get3A_52, %concatenate3A : vector<8x128xf32>
    %swap3A_54 = arith.constant 0 : index
    %swap3A_55 = arith.constant 0 : index
    %swap3A_56 = vector.load %arg8[%swap3A_54, %swap3A_55] : memref<8x128xf32, #tpu.memory_space<vmem>>, vector<8x128xf32>
    tpu.vector_store %arg8[%swap3A_54, %swap3A_55], %add3A_53 {strides = array<i32>} : memref<8x128xf32, #tpu.memory_space<vmem>>, vector<8x128xf32>,
    return
  }
  func.func @transform_0(%arg0: i32) -> (i32, i32) {
    %c0_i32 = arith.constant 0 : i32
    %c0_i32_0 = arith.constant 0 : i32
    return %arg0, %c0_i32 : i32, i32
  }
  func.func @transform_1(%arg0: i32) -> (i32, i32) {
    %c0_i32 = arith.constant 0 : i32
    %c0_i32_0 = arith.constant 0 : i32
    %c0_i32_1 = arith.constant 0 : i32
    return %c0_i32, %c0_i32_0 : i32, i32
  }
  func.func @transform_2(%arg0: i32) -> (i32, i32) {
    %c0_i32 = arith.constant 0 : i32
    %c0_i32_0 = arith.constant 0 : i32
    %c0_i32_1 = arith.constant 0 : i32
    return %c0_i32, %c0_i32_0 : i32, i32
  }
  func.func @transform_3(%arg0: i32) -> (i32, i32) {
    %c0_i32 = arith.constant 0 : i32
    %c0_i32_0 = arith.constant 0 : i32
    %c0_i32_1 = arith.constant 0 : i32
    return %c0_i32, %c0_i32_0 : i32, i32
  }
  func.func @transform_4(%arg0: i32) -> (i32, i32) {
    %c0_i32 = arith.constant 0 : i32
    %c0_i32_0 = arith.constant 0 : i32
    %c0_i32_1 = arith.constant 0 : i32
    return %c0_i32, %c0_i32_0 : i32, i32
  }
  func.func @transform_5(%arg0: i32) -> (i32, i32) {
    %c0_i32 = arith.constant 0 : i32
    %c0_i32_0 = arith.constant 0 : i32
    %c0_i32_1 = arith.constant 0 : i32
    return %c0_i32, %c0_i32_0 : i32, i32
  }
  func.func @transform_6(%arg0: i32) -> (i32, i32) {
    %c0_i32 = arith.constant 0 : i32
    %c0_i32_0 = arith.constant 0 : i32
    return %arg0, %c0_i32 : i32, i32
  }
  func.func @transform_7(%arg0: i32) -> (i32, i32) {
    %c0_i32 = arith.constant 0 : i32
    %c0_i32_0 = arith.constant 0 : i32
    %c0_i32_1 = arith.constant 0 : i32
    return %c0_i32, %c0_i32_0 : i32, i32
  }
}

module attributes {stable_mosaic.version = 14 : i64} {
  func.func @_l0_body(%arg0: i32, %arg1: i32, %arg2: memref<512x128xf32, #tpu.memory_space<vmem>>, %arg3: memref<1x8x3xf32, #tpu.memory_space<vmem>>, %arg4: memref<128x128xf32, #tpu.memory_space<vmem>>, %arg5: memref<1x128xf32, #tpu.memory_space<vmem>>, %arg6: memref<512x128xf32, #tpu.memory_space<vmem>>, %arg7: memref<8x128xf32, #tpu.memory_space<vmem>>) attributes {dimension_semantics = [#tpu.dimension_semantics<arbitrary>, #tpu.dimension_semantics<arbitrary>], iteration_bounds = array<i64: 8, 128>, scalar_prefetch = 0 : i64, scratch_operands = 0 : i64, tpu.core_type = #tpu.core_type<tc>, window_params = [{transform_indices = @transform_0, window_bounds = array<i64: 512, 128>}, {transform_indices = @transform_1, window_bounds = array<i64: 1, 8, 3>}, {pipeline_mode = #tpu.pipeline_mode<synchronous>, transform_indices = @transform_2, window_bounds = array<i64: 128, 128>}, {pipeline_mode = #tpu.pipeline_mode<synchronous>, transform_indices = @transform_3, window_bounds = array<i64: 1, 128>}, {transform_indices = @transform_4, window_bounds = array<i64: 512, 128>}, {pipeline_mode = #tpu.pipeline_mode<synchronous>, transform_indices = @transform_5, window_bounds = array<i64: 8, 128>}]} {
    %get3A = arith.constant 0 : index
    %get3A_0 = arith.constant 0 : index
    %get3A_1 = arith.constant 0 : index
    %get3A_2 = vector.load %arg3[%get3A, %get3A_0, %get3A_1] : memref<1x8x3xf32, #tpu.memory_space<vmem>>, vector<1x8x3xf32>
    %get3A_3 = vector.shape_cast %get3A_2 : vector<1x8x3xf32> to vector<8x3xf32>
    %broadcast_in_dim3A = arith.constant 0.000000e+00 : f32
    %broadcast_in_dim3A_4 = vector.broadcast %broadcast_in_dim3A : f32 to vector<8x125xf32>
    %concatenate3A = tpu.concatenate %get3A_3, %broadcast_in_dim3A_4 in 1 : vector<8x3xf32>, vector<8x125xf32> -> vector<8x128xf32>
    %reshape3A = vector.shape_cast %concatenate3A : vector<8x128xf32> to vector<8x1x128xf32>
    %broadcast_in_dim3A_5 = vector.shape_cast %reshape3A : vector<8x1x128xf32> to vector<8x1x128xf32>
    %broadcast_in_dim3A_6 = vector.broadcast %broadcast_in_dim3A_5 : vector<8x1x128xf32> to vector<8x64x128xf32>
    %reshape3A_7 = vector.shape_cast %broadcast_in_dim3A_6 : vector<8x64x128xf32> to vector<512x128xf32>
    %iota3A = tpu.iota {dimensions = array<i32: 1>} : vector<1x128xi32>
    %lt3A = arith.constant 3 : i32
    %lt3A_8 = vector.broadcast %lt3A : i32 to vector<1x128xi32>
    %lt3A_9 = arith.cmpi slt, %iota3A, %lt3A_8 : vector<1x128xi32>
    %jit3A = arith.constant 5.000000e+00 : f32
    %jit3A_10 = arith.constant 1.000000e+00 : f32
    %broadcast_in_dim3A_11 = vector.broadcast %jit3A : f32 to vector<1x128xf32>
    %broadcast_in_dim3A_12 = vector.broadcast %jit3A_10 : f32 to vector<1x128xf32>
    %select_n3A = arith.select %lt3A_9, %broadcast_in_dim3A_11, %broadcast_in_dim3A_12 : vector<1x128xi1>, vector<1x128xf32>
    %get3A_13 = arith.constant 0 : index
    %get3A_14 = arith.constant 0 : index
    %get3A_15 = vector.load %arg2[%get3A_13, %get3A_14] : memref<512x128xf32, #tpu.memory_space<vmem>>, vector<512x128xf32>
    %sub3A = arith.subf %get3A_15, %reshape3A_7 : vector<512x128xf32>
    %mul3A = vector.broadcast %select_n3A : vector<1x128xf32> to vector<512x128xf32>
    %mul3A_16 = arith.mulf %sub3A, %mul3A : vector<512x128xf32>
    %get3A_17 = arith.constant 0 : index
    %get3A_18 = arith.constant 0 : index
    %get3A_19 = vector.load %arg4[%get3A_17, %get3A_18] : memref<128x128xf32, #tpu.memory_space<vmem>>, vector<128x128xf32>
    %dot_general3A = arith.constant dense<0.000000e+00> : vector<512x128xf32>
    %dot_general3A_20 = tpu.matmul %mul3A_16, %get3A_19, %dot_general3A {dimension_numbers = #tpu.dot_dimension_numbers<[1], [0], [0], [1], [0, 0, 1, 1], [], []>, transpose_lhs_hint = false} : vector<512x128xf32>, vector<128x128xf32>, vector<512x128xf32> -> vector<512x128xf32>
    %get3A_21 = arith.constant 0 : index
    %get3A_22 = arith.constant 0 : index
    %get3A_23 = vector.load %arg5[%get3A_21, %get3A_22] : memref<1x128xf32, #tpu.memory_space<vmem>>, vector<1x128xf32>
    %add3A = vector.broadcast %get3A_23 : vector<1x128xf32> to vector<512x128xf32>
    %add3A_24 = arith.addf %dot_general3A_20, %add3A : vector<512x128xf32>
    %swap3A = arith.constant 0 : index
    %swap3A_25 = arith.constant 0 : index
    %swap3A_26 = vector.load %arg6[%swap3A, %swap3A_25] : memref<512x128xf32, #tpu.memory_space<vmem>>, vector<512x128xf32>
    tpu.vector_store %arg6[%swap3A, %swap3A_25], %add3A_24 {strides = array<i32>} : memref<512x128xf32, #tpu.memory_space<vmem>>, vector<512x128xf32>,
    %reduce_sum3A = arith.constant dense<0.000000e+00> : vector<128xf32>
    %reduce_sum3A_27 = vector.multi_reduction <add>, %add3A_24, %reduce_sum3A [0] : vector<512x128xf32> to vector<128xf32>
    %broadcast_in_dim3A_28 = vector.shape_cast %reduce_sum3A_27 : vector<128xf32> to vector<1x128xf32>
    %mul3A_29 = arith.mulf %add3A_24, %add3A_24 : vector<512x128xf32>
    %reduce_sum3A_30 = arith.constant dense<0.000000e+00> : vector<128xf32>
    %reduce_sum3A_31 = vector.multi_reduction <add>, %mul3A_29, %reduce_sum3A_30 [0] : vector<512x128xf32> to vector<128xf32>
    %broadcast_in_dim3A_32 = vector.shape_cast %reduce_sum3A_31 : vector<128xf32> to vector<1x128xf32>
    %broadcast_in_dim3A_33 = arith.constant 0.000000e+00 : f32
    %broadcast_in_dim3A_34 = vector.broadcast %broadcast_in_dim3A_33 : f32 to vector<6x128xf32>
    %concatenate3A_35 = tpu.concatenate %broadcast_in_dim3A_28, %broadcast_in_dim3A_32, %broadcast_in_dim3A_34 in 0 : vector<1x128xf32>, vector<1x128xf32>, vector<6x128xf32> -> vector<8x128xf32>
    %eq3A = arith.constant 0 : i32
    %eq3A_36 = arith.cmpi eq, %arg0, %eq3A : i32
    %eq3A_37 = arith.constant 0 : i32
    %eq3A_38 = arith.cmpi eq, %arg1, %eq3A_37 : i32
    %and3A = arith.andi %eq3A_36, %eq3A_38 : i1
    %convert_element_type3A = arith.extui %and3A : i1 to i32
    %cond3A = arith.constant 0 : i32
    %cond3A_39 = arith.cmpi ne, %convert_element_type3A, %cond3A : i32
    scf.if %cond3A_39 {
      %broadcast_in_dim3A_47 = arith.constant 0.000000e+00 : f32
      %broadcast_in_dim3A_48 = vector.broadcast %broadcast_in_dim3A_47 : f32 to vector<8x128xf32>
      %swap3A_49 = arith.constant 0 : index
      %swap3A_50 = arith.constant 0 : index
      %swap3A_51 = vector.load %arg7[%swap3A_49, %swap3A_50] : memref<8x128xf32, #tpu.memory_space<vmem>>, vector<8x128xf32>
      tpu.vector_store %arg7[%swap3A_49, %swap3A_50], %broadcast_in_dim3A_48 {strides = array<i32>} : memref<8x128xf32, #tpu.memory_space<vmem>>, vector<8x128xf32>,
    } else {
    }
    %get3A_40 = arith.constant 0 : index
    %get3A_41 = arith.constant 0 : index
    %get3A_42 = vector.load %arg7[%get3A_40, %get3A_41] : memref<8x128xf32, #tpu.memory_space<vmem>>, vector<8x128xf32>
    %add3A_43 = arith.addf %get3A_42, %concatenate3A_35 : vector<8x128xf32>
    %swap3A_44 = arith.constant 0 : index
    %swap3A_45 = arith.constant 0 : index
    %swap3A_46 = vector.load %arg7[%swap3A_44, %swap3A_45] : memref<8x128xf32, #tpu.memory_space<vmem>>, vector<8x128xf32>
    tpu.vector_store %arg7[%swap3A_44, %swap3A_45], %add3A_43 {strides = array<i32>} : memref<8x128xf32, #tpu.memory_space<vmem>>, vector<8x128xf32>,
    return
  }
  func.func @transform_0(%arg0: i32, %arg1: i32) -> (i32, i32) {
    %mul3A = arith.constant 128 : i32
    %mul3A_0 = arith.muli %arg0, %mul3A : i32
    %add3A = arith.addi %mul3A_0, %arg1 : i32
    %c0_i32 = arith.constant 0 : i32
    %c0_i32_1 = arith.constant 0 : i32
    return %add3A, %c0_i32 : i32, i32
  }
  func.func @transform_1(%arg0: i32, %arg1: i32) -> (i32, i32, i32) {
    %c0_i32 = arith.constant 0 : i32
    %c0_i32_0 = arith.constant 0 : i32
    return %arg0, %arg1, %c0_i32 : i32, i32, i32
  }
  func.func @transform_2(%arg0: i32, %arg1: i32) -> (i32, i32) {
    %c0_i32 = arith.constant 0 : i32
    %c0_i32_0 = arith.constant 0 : i32
    %c0_i32_1 = arith.constant 0 : i32
    return %c0_i32, %c0_i32_0 : i32, i32
  }
  func.func @transform_3(%arg0: i32, %arg1: i32) -> (i32, i32) {
    %c0_i32 = arith.constant 0 : i32
    %c0_i32_0 = arith.constant 0 : i32
    %c0_i32_1 = arith.constant 0 : i32
    return %c0_i32, %c0_i32_0 : i32, i32
  }
  func.func @transform_4(%arg0: i32, %arg1: i32) -> (i32, i32) {
    %mul3A = arith.constant 128 : i32
    %mul3A_0 = arith.muli %arg0, %mul3A : i32
    %add3A = arith.addi %mul3A_0, %arg1 : i32
    %c0_i32 = arith.constant 0 : i32
    %c0_i32_1 = arith.constant 0 : i32
    return %add3A, %c0_i32 : i32, i32
  }
  func.func @transform_5(%arg0: i32, %arg1: i32) -> (i32, i32) {
    %c0_i32 = arith.constant 0 : i32
    %c0_i32_0 = arith.constant 0 : i32
    %c0_i32_1 = arith.constant 0 : i32
    return %c0_i32, %c0_i32_0 : i32, i32
  }
}

module attributes {stable_mosaic.version = 14 : i64} {
  func.func @_mid_body(%arg0: i32, %arg1: memref<2048x128xf32, #tpu.memory_space<vmem>>, %arg2: memref<8x128xf32, #tpu.memory_space<vmem>>, %arg3: memref<1x128xf32, #tpu.memory_space<vmem>>, %arg4: memref<1x128xf32, #tpu.memory_space<vmem>>, %arg5: memref<128x256xf32, #tpu.memory_space<vmem>>, %arg6: memref<1x256xf32, #tpu.memory_space<vmem>>, %arg7: memref<2048x256xf32, #tpu.memory_space<vmem>>, %arg8: memref<8x256xf32, #tpu.memory_space<vmem>>) attributes {dimension_semantics = [#tpu.dimension_semantics<arbitrary>], iteration_bounds = array<i64: 256>, scalar_prefetch = 0 : i64, scratch_operands = 0 : i64, tpu.core_type = #tpu.core_type<tc>, window_params = [{transform_indices = @transform_0, window_bounds = array<i64: 2048, 128>}, {pipeline_mode = #tpu.pipeline_mode<synchronous>, transform_indices = @transform_1, window_bounds = array<i64: 8, 128>}, {pipeline_mode = #tpu.pipeline_mode<synchronous>, transform_indices = @transform_2, window_bounds = array<i64: 1, 128>}, {pipeline_mode = #tpu.pipeline_mode<synchronous>, transform_indices = @transform_3, window_bounds = array<i64: 1, 128>}, {pipeline_mode = #tpu.pipeline_mode<synchronous>, transform_indices = @transform_4, window_bounds = array<i64: 128, 256>}, {pipeline_mode = #tpu.pipeline_mode<synchronous>, transform_indices = @transform_5, window_bounds = array<i64: 1, 256>}, {transform_indices = @transform_6, window_bounds = array<i64: 2048, 256>}, {pipeline_mode = #tpu.pipeline_mode<synchronous>, transform_indices = @transform_7, window_bounds = array<i64: 8, 256>}]} {
    %get3A = arith.constant 0 : index
    %get3A_0 = arith.constant 0 : index
    %get3A_1 = vector.load %arg2[%get3A, %get3A_0] : memref<8x128xf32, #tpu.memory_space<vmem>>, vector<1x128xf32>
    %div3A = arith.constant 5.242880e+05 : f32
    %div3A_2 = vector.broadcast %div3A : f32 to vector<1x128xf32>
    %div3A_3 = arith.divf %get3A_1, %div3A_2 : vector<1x128xf32>
    %get3A_4 = arith.constant 1 : index
    %get3A_5 = arith.constant 0 : index
    %get3A_6 = vector.load %arg2[%get3A_4, %get3A_5] : memref<8x128xf32, #tpu.memory_space<vmem>>, vector<1x128xf32>
    %div3A_7 = arith.constant 5.242880e+05 : f32
    %div3A_8 = vector.broadcast %div3A_7 : f32 to vector<1x128xf32>
    %div3A_9 = arith.divf %get3A_6, %div3A_8 : vector<1x128xf32>
    %mul3A = arith.mulf %div3A_3, %div3A_3 : vector<1x128xf32>
    %sub3A = arith.subf %div3A_9, %mul3A : vector<1x128xf32>
    %get3A_10 = arith.constant 0 : index
    %get3A_11 = arith.constant 0 : index
    %get3A_12 = vector.load %arg3[%get3A_10, %get3A_11] : memref<1x128xf32, #tpu.memory_space<vmem>>, vector<1x128xf32>
    %add3A = arith.constant 9.99999974E-6 : f32
    %add3A_13 = vector.broadcast %add3A : f32 to vector<1x128xf32>
    %add3A_14 = arith.addf %sub3A, %add3A_13 : vector<1x128xf32>
    %rsqrt3A = math.rsqrt %add3A_14 : vector<1x128xf32>
    %mul3A_15 = arith.mulf %get3A_12, %rsqrt3A : vector<1x128xf32>
    %get3A_16 = arith.constant 0 : index
    %get3A_17 = arith.constant 0 : index
    %get3A_18 = vector.load %arg4[%get3A_16, %get3A_17] : memref<1x128xf32, #tpu.memory_space<vmem>>, vector<1x128xf32>
    %mul3A_19 = arith.mulf %div3A_3, %mul3A_15 : vector<1x128xf32>
    %sub3A_20 = arith.subf %get3A_18, %mul3A_19 : vector<1x128xf32>
    %get3A_21 = arith.constant 0 : index
    %get3A_22 = arith.constant 0 : index
    %get3A_23 = vector.load %arg1[%get3A_21, %get3A_22] : memref<2048x128xf32, #tpu.memory_space<vmem>>, vector<2048x128xf32>
    %mul3A_24 = vector.broadcast %mul3A_15 : vector<1x128xf32> to vector<2048x128xf32>
    %mul3A_25 = arith.mulf %get3A_23, %mul3A_24 : vector<2048x128xf32>
    %add3A_26 = vector.broadcast %sub3A_20 : vector<1x128xf32> to vector<2048x128xf32>
    %add3A_27 = arith.addf %mul3A_25, %add3A_26 : vector<2048x128xf32>
    %max3A = arith.constant 0.000000e+00 : f32
    %max3A_28 = vector.broadcast %max3A : f32 to vector<2048x128xf32>
    %max3A_29 = arith.maximumf %add3A_27, %max3A_28 : vector<2048x128xf32>
    %get3A_30 = arith.constant 0 : index
    %get3A_31 = arith.constant 0 : index
    %get3A_32 = vector.load %arg5[%get3A_30, %get3A_31] : memref<128x256xf32, #tpu.memory_space<vmem>>, vector<128x256xf32>
    %dot_general3A = arith.constant dense<0.000000e+00> : vector<2048x256xf32>
    %dot_general3A_33 = tpu.matmul %max3A_29, %get3A_32, %dot_general3A {dimension_numbers = #tpu.dot_dimension_numbers<[1], [0], [0], [1], [0, 0, 1, 1], [], []>, transpose_lhs_hint = false} : vector<2048x128xf32>, vector<128x256xf32>, vector<2048x256xf32> -> vector<2048x256xf32>
    %get3A_34 = arith.constant 0 : index
    %get3A_35 = arith.constant 0 : index
    %get3A_36 = vector.load %arg6[%get3A_34, %get3A_35] : memref<1x256xf32, #tpu.memory_space<vmem>>, vector<1x256xf32>
    %add3A_37 = vector.broadcast %get3A_36 : vector<1x256xf32> to vector<2048x256xf32>
    %add3A_38 = arith.addf %dot_general3A_33, %add3A_37 : vector<2048x256xf32>
    %swap3A = arith.constant 0 : index
    %swap3A_39 = arith.constant 0 : index
    %swap3A_40 = vector.load %arg7[%swap3A, %swap3A_39] : memref<2048x256xf32, #tpu.memory_space<vmem>>, vector<2048x256xf32>
    tpu.vector_store %arg7[%swap3A, %swap3A_39], %add3A_38 {strides = array<i32>} : memref<2048x256xf32, #tpu.memory_space<vmem>>, vector<2048x256xf32>,
    %reduce_sum3A = arith.constant dense<0.000000e+00> : vector<256xf32>
    %reduce_sum3A_41 = vector.multi_reduction <add>, %add3A_38, %reduce_sum3A [0] : vector<2048x256xf32> to vector<256xf32>
    %broadcast_in_dim3A = vector.shape_cast %reduce_sum3A_41 : vector<256xf32> to vector<1x256xf32>
    %mul3A_42 = arith.mulf %add3A_38, %add3A_38 : vector<2048x256xf32>
    %reduce_sum3A_43 = arith.constant dense<0.000000e+00> : vector<256xf32>
    %reduce_sum3A_44 = vector.multi_reduction <add>, %mul3A_42, %reduce_sum3A_43 [0] : vector<2048x256xf32> to vector<256xf32>
    %broadcast_in_dim3A_45 = vector.shape_cast %reduce_sum3A_44 : vector<256xf32> to vector<1x256xf32>
    %broadcast_in_dim3A_46 = arith.constant 0.000000e+00 : f32
    %broadcast_in_dim3A_47 = vector.broadcast %broadcast_in_dim3A_46 : f32 to vector<6x256xf32>
    %concatenate3A = tpu.concatenate %broadcast_in_dim3A, %broadcast_in_dim3A_45, %broadcast_in_dim3A_47 in 0 : vector<1x256xf32>, vector<1x256xf32>, vector<6x256xf32> -> vector<8x256xf32>
    %eq3A = arith.constant 0 : i32
    %eq3A_48 = arith.cmpi eq, %arg0, %eq3A : i32
    %convert_element_type3A = arith.extui %eq3A_48 : i1 to i32
    %cond3A = arith.constant 0 : i32
    %cond3A_49 = arith.cmpi ne, %convert_element_type3A, %cond3A : i32
    scf.if %cond3A_49 {
      %broadcast_in_dim3A_57 = arith.constant 0.000000e+00 : f32
      %broadcast_in_dim3A_58 = vector.broadcast %broadcast_in_dim3A_57 : f32 to vector<8x256xf32>
      %swap3A_59 = arith.constant 0 : index
      %swap3A_60 = arith.constant 0 : index
      %swap3A_61 = vector.load %arg8[%swap3A_59, %swap3A_60] : memref<8x256xf32, #tpu.memory_space<vmem>>, vector<8x256xf32>
      tpu.vector_store %arg8[%swap3A_59, %swap3A_60], %broadcast_in_dim3A_58 {strides = array<i32>} : memref<8x256xf32, #tpu.memory_space<vmem>>, vector<8x256xf32>,
    } else {
    }
    %get3A_50 = arith.constant 0 : index
    %get3A_51 = arith.constant 0 : index
    %get3A_52 = vector.load %arg8[%get3A_50, %get3A_51] : memref<8x256xf32, #tpu.memory_space<vmem>>, vector<8x256xf32>
    %add3A_53 = arith.addf %get3A_52, %concatenate3A : vector<8x256xf32>
    %swap3A_54 = arith.constant 0 : index
    %swap3A_55 = arith.constant 0 : index
    %swap3A_56 = vector.load %arg8[%swap3A_54, %swap3A_55] : memref<8x256xf32, #tpu.memory_space<vmem>>, vector<8x256xf32>
    tpu.vector_store %arg8[%swap3A_54, %swap3A_55], %add3A_53 {strides = array<i32>} : memref<8x256xf32, #tpu.memory_space<vmem>>, vector<8x256xf32>,
    return
  }
  func.func @transform_0(%arg0: i32) -> (i32, i32) {
    %c0_i32 = arith.constant 0 : i32
    %c0_i32_0 = arith.constant 0 : i32
    return %arg0, %c0_i32 : i32, i32
  }
  func.func @transform_1(%arg0: i32) -> (i32, i32) {
    %c0_i32 = arith.constant 0 : i32
    %c0_i32_0 = arith.constant 0 : i32
    %c0_i32_1 = arith.constant 0 : i32
    return %c0_i32, %c0_i32_0 : i32, i32
  }
  func.func @transform_2(%arg0: i32) -> (i32, i32) {
    %c0_i32 = arith.constant 0 : i32
    %c0_i32_0 = arith.constant 0 : i32
    %c0_i32_1 = arith.constant 0 : i32
    return %c0_i32, %c0_i32_0 : i32, i32
  }
  func.func @transform_3(%arg0: i32) -> (i32, i32) {
    %c0_i32 = arith.constant 0 : i32
    %c0_i32_0 = arith.constant 0 : i32
    %c0_i32_1 = arith.constant 0 : i32
    return %c0_i32, %c0_i32_0 : i32, i32
  }
  func.func @transform_4(%arg0: i32) -> (i32, i32) {
    %c0_i32 = arith.constant 0 : i32
    %c0_i32_0 = arith.constant 0 : i32
    %c0_i32_1 = arith.constant 0 : i32
    return %c0_i32, %c0_i32_0 : i32, i32
  }
  func.func @transform_5(%arg0: i32) -> (i32, i32) {
    %c0_i32 = arith.constant 0 : i32
    %c0_i32_0 = arith.constant 0 : i32
    %c0_i32_1 = arith.constant 0 : i32
    return %c0_i32, %c0_i32_0 : i32, i32
  }
  func.func @transform_6(%arg0: i32) -> (i32, i32) {
    %c0_i32 = arith.constant 0 : i32
    %c0_i32_0 = arith.constant 0 : i32
    return %arg0, %c0_i32 : i32, i32
  }
  func.func @transform_7(%arg0: i32) -> (i32, i32) {
    %c0_i32 = arith.constant 0 : i32
    %c0_i32_0 = arith.constant 0 : i32
    %c0_i32_1 = arith.constant 0 : i32
    return %c0_i32, %c0_i32_0 : i32, i32
  }
}

module attributes {stable_mosaic.version = 14 : i64} {
  func.func @_final_body(%arg0: i32, %arg1: memref<2048x256xf32, #tpu.memory_space<vmem>>, %arg2: memref<8x256xf32, #tpu.memory_space<vmem>>, %arg3: memref<1x256xf32, #tpu.memory_space<vmem>>, %arg4: memref<1x256xf32, #tpu.memory_space<vmem>>, %arg5: memref<32x256xf32, #tpu.memory_space<vmem>>) attributes {dimension_semantics = [#tpu.dimension_semantics<arbitrary>], iteration_bounds = array<i64: 256>, scalar_prefetch = 0 : i64, scratch_operands = 0 : i64, tpu.core_type = #tpu.core_type<tc>, window_params = [{transform_indices = @transform_0, window_bounds = array<i64: 2048, 256>}, {pipeline_mode = #tpu.pipeline_mode<synchronous>, transform_indices = @transform_1, window_bounds = array<i64: 8, 256>}, {pipeline_mode = #tpu.pipeline_mode<synchronous>, transform_indices = @transform_2, window_bounds = array<i64: 1, 256>}, {pipeline_mode = #tpu.pipeline_mode<synchronous>, transform_indices = @transform_3, window_bounds = array<i64: 1, 256>}, {transform_indices = @transform_4, window_bounds = array<i64: 32, 256>}]} {
    %get3A = arith.constant 0 : index
    %get3A_0 = arith.constant 0 : index
    %get3A_1 = vector.load %arg2[%get3A, %get3A_0] : memref<8x256xf32, #tpu.memory_space<vmem>>, vector<1x256xf32>
    %div3A = arith.constant 5.242880e+05 : f32
    %div3A_2 = vector.broadcast %div3A : f32 to vector<1x256xf32>
    %div3A_3 = arith.divf %get3A_1, %div3A_2 : vector<1x256xf32>
    %get3A_4 = arith.constant 1 : index
    %get3A_5 = arith.constant 0 : index
    %get3A_6 = vector.load %arg2[%get3A_4, %get3A_5] : memref<8x256xf32, #tpu.memory_space<vmem>>, vector<1x256xf32>
    %div3A_7 = arith.constant 5.242880e+05 : f32
    %div3A_8 = vector.broadcast %div3A_7 : f32 to vector<1x256xf32>
    %div3A_9 = arith.divf %get3A_6, %div3A_8 : vector<1x256xf32>
    %mul3A = arith.mulf %div3A_3, %div3A_3 : vector<1x256xf32>
    %sub3A = arith.subf %div3A_9, %mul3A : vector<1x256xf32>
    %get3A_10 = arith.constant 0 : index
    %get3A_11 = arith.constant 0 : index
    %get3A_12 = vector.load %arg3[%get3A_10, %get3A_11] : memref<1x256xf32, #tpu.memory_space<vmem>>, vector<1x256xf32>
    %add3A = arith.constant 9.99999974E-6 : f32
    %add3A_13 = vector.broadcast %add3A : f32 to vector<1x256xf32>
    %add3A_14 = arith.addf %sub3A, %add3A_13 : vector<1x256xf32>
    %rsqrt3A = math.rsqrt %add3A_14 : vector<1x256xf32>
    %mul3A_15 = arith.mulf %get3A_12, %rsqrt3A : vector<1x256xf32>
    %get3A_16 = arith.constant 0 : index
    %get3A_17 = arith.constant 0 : index
    %get3A_18 = vector.load %arg4[%get3A_16, %get3A_17] : memref<1x256xf32, #tpu.memory_space<vmem>>, vector<1x256xf32>
    %mul3A_19 = arith.mulf %div3A_3, %mul3A_15 : vector<1x256xf32>
    %sub3A_20 = arith.subf %get3A_18, %mul3A_19 : vector<1x256xf32>
    %get3A_21 = arith.constant 0 : index
    %get3A_22 = arith.constant 0 : index
    %get3A_23 = vector.load %arg1[%get3A_21, %get3A_22] : memref<2048x256xf32, #tpu.memory_space<vmem>>, vector<2048x256xf32>
    %mul3A_24 = vector.broadcast %mul3A_15 : vector<1x256xf32> to vector<2048x256xf32>
    %mul3A_25 = arith.mulf %get3A_23, %mul3A_24 : vector<2048x256xf32>
    %add3A_26 = vector.broadcast %sub3A_20 : vector<1x256xf32> to vector<2048x256xf32>
    %add3A_27 = arith.addf %mul3A_25, %add3A_26 : vector<2048x256xf32>
    %max3A = arith.constant 0.000000e+00 : f32
    %max3A_28 = vector.broadcast %max3A : f32 to vector<2048x256xf32>
    %max3A_29 = arith.maximumf %add3A_27, %max3A_28 : vector<2048x256xf32>
    %reshape3A = vector.shape_cast %max3A_29 : vector<2048x256xf32> to vector<32x64x256xf32>
    %reduce_max3A = arith.constant dense<0xFF800000> : vector<32x256xf32>
    %reduce_max3A_30 = vector.multi_reduction <maximumf>, %reshape3A, %reduce_max3A [1] : vector<32x64x256xf32> to vector<32x256xf32>
    %swap3A = arith.constant 0 : index
    %swap3A_31 = arith.constant 0 : index
    %swap3A_32 = vector.load %arg5[%swap3A, %swap3A_31] : memref<32x256xf32, #tpu.memory_space<vmem>>, vector<32x256xf32>
    tpu.vector_store %arg5[%swap3A, %swap3A_31], %reduce_max3A_30 {strides = array<i32>} : memref<32x256xf32, #tpu.memory_space<vmem>>, vector<32x256xf32>,
    return
  }
  func.func @transform_0(%arg0: i32) -> (i32, i32) {
    %c0_i32 = arith.constant 0 : i32
    %c0_i32_0 = arith.constant 0 : i32
    return %arg0, %c0_i32 : i32, i32
  }
  func.func @transform_1(%arg0: i32) -> (i32, i32) {
    %c0_i32 = arith.constant 0 : i32
    %c0_i32_0 = arith.constant 0 : i32
    %c0_i32_1 = arith.constant 0 : i32
    return %c0_i32, %c0_i32_0 : i32, i32
  }
  func.func @transform_2(%arg0: i32) -> (i32, i32) {
    %c0_i32 = arith.constant 0 : i32
    %c0_i32_0 = arith.constant 0 : i32
    %c0_i32_1 = arith.constant 0 : i32
    return %c0_i32, %c0_i32_0 : i32, i32
  }
  func.func @transform_3(%arg0: i32) -> (i32, i32) {
    %c0_i32 = arith.constant 0 : i32
    %c0_i32_0 = arith.constant 0 : i32
    %c0_i32_1 = arith.constant 0 : i32
    return %c0_i32, %c0_i32_0 : i32, i32
  }
  func.func @transform_4(%arg0: i32) -> (i32, i32) {
    %c0_i32 = arith.constant 0 : i32
    %c0_i32_0 = arith.constant 0 : i32
    return %arg0, %c0_i32 : i32, i32
  }
}

</mosaic_0001>

<sc_bundles>
// kernel: kernel.9.cloned.1.call-start
scs
__scs_entry_jumppad:
0x0: {  	(pc) =	sbr.rel $0x88, $3  }
0x1: {  	(tag) =	ssettag $0x0;
	lr =	simm.s32 $0x1  }
0x2: {  	[smem:$0x3F93] =	sst lr;
	_ =	strace $0xD0000000  }
0x3: {  	_ = 	snop  }
0x4: {  	_ = 	snop  }
0x5: {  	_ = 	snop  }
0x6: {  	_ = 	snop  }
0x7: {  	_ = 	snop  }
__scs_overlays_trampoline_lowered:
0x8: {  	[smem:$0x3FA2] =	sst s0  }
0x9: {  	[smem:$0x3FA3] =	sst s1  }
0xa: {  	[smem:$0x3FA4] =	sst s2  }
0xb: {  	[smem:$0x3FA5] =	sst s3  }
0xc: {  	[smem:$0x3FA6] =	sst s4  }
0xd: {  	[smem:$0x3FA7] =	sst s5  }
0xe: {  	[smem:$0x3FA8] =	sst s6  }
0xf: {  	[smem:$0x3FA9] =	sst s7  }
0x10: {  	[smem:$0x3FAA] =	sst s8  }
0x11: {  	[smem:$0x3FAB] =	sst s9;
	s0 =	simm.s32 @!p0 $0x0  }
0x12: {  	s1 =	sld [smem:$0x3F91];
	s0 =	simm.s32 @p0 $0x1  }
0x13: {  	[smem:$0x3FAC] =	sst s0;
	s0 =	simm.s32 @!p1 $0x0  }
0x14: {  	s2 =	sld [smem:$0x3F90];
	s0 =	simm.s32 @p1 $0x1  }
0x15: {  	[smem:$0x3FAD] =	sst s0;
	s0 =	simm.s32 @!p2 $0x0  }
0x16: {  	s3 =	sld [smem:$0x3FDB];
	s0 =	simm.s32 @p2 $0x1  }
0x17: {  	s4 =	simm.s32 $0x1BF5;
	[smem:$0x3FAF] =	sst s0  }
0x18: {  	s0 =	sld [smem:$0x3F92];
	_ =	swait.ge [sflag:s4], $0x0  }
0x19: {  	s7 =	sld [smem:$0x3F93]  }
0x1a: {  	s8 =	sadd.s32 $0xFFFFE003, lr  }
0x1b: {  	s9 =	sadd.s32 $0xFFFFFEF7, lr;
	s5 =	simm.s32 $0xFFFFFFFF;
	p2 =	slt.u32 s8, $0xFFFFF086  }
0x1c: {  	p1 =	slt.u32 s9, $0xF7A;
	s5 =	simm.s32 @!p2 $0x0  }
0x1d: {  	s5 =	simm.s32 @p1 $0x1;
	p0 =	seq.s32 s7, s2  }
0x1e: {  	s7 =	smul.u32 @!p0 $0xF7A, s2;
	p2 =	seq.s32 @!p0 s5, $0x0  }
0x1f: {  	s9 =	smul.u32 $0xF7A, s1;
	s8 =	simm.s32 @!p0 $0x1BF5;
	p2 =	por !p2, p0  }
0x20: {  	[sflag:s8] =	ssyncset.s32 @!p0 $0xFFFFF086;
	s6 =	sadd.s32 @!p0 s3, s7;
	s7 =	simm.s32 @!p0 $0x108  }
0x21: {  	s3 =	sadd.s32 s3, s9;
	s6 =	sadd.s32 @!p0 $0x88, s6;
	s7 =	simm.s32 @p2 $0x1082  }
0x22: {  	[simem:s7], [sflag:s8] =	dma.local @!p0 [hbm:s6], $0xF7A  }
0x23: {  	s9 =	sor.u32 $0xD0000000, s2;
	s6 =	simm.s32 $0x108;
	_ =	swait.ge @!p0 [sflag:s8], $0x0  }
0x24: {  	s3 =	sadd.s32 $0x88, s3;
	s6 =	simm.s32 @!p1 $0x1082;
	[sflag:s4] =	ssyncset.s32 $0xFFFFF086  }
0x25: {  	[simem:s6], [sflag:s4] =	dma.local [hbm:s3], $0xF7A  }
0x26: {  	[smem:$0x3F93] =	sst s1;
	(tag) =	ssettag s2;
	_ =	strace s9  }
0x27: {  	s1 =	sld [smem:$0x3FA3]  }
0x28: {  	s2 =	sld [smem:$0x3FA4]  }
0x29: {  	s4 =	sld [smem:$0x3FA6]  }
0x2a: {  	p0 =	seq.s32 s5, $0x0;
	s5 =	sld [smem:$0x3FA7]  }
0x2b: {  	s6 =	sld [smem:$0x3FA8]  }
0x2c: {  	s7 =	sld [smem:$0x3FA9]  }
0x2d: {  	s3 =	simm.s32 $0x108;
	s8 =	sld [smem:$0x3FAA]  }
0x2e: {  	s3 =	simm.s32 @!p0 $0x1082;
	s9 =	sld [smem:$0x3FAB]  }
0x2f: {  	lr =	sadd.s32 s0, s3;
	s0 =	sld [smem:$0x3FA2]  }
0x30: {  	s3 =	sld [smem:$0x3FA5]  }
0x31: {  	[smem:$0x3FAE] =	sst s10  }
0x32: {  	s10 =	sld [smem:$0x3FAC];
	_ =	sdelay $0x3  }
0x33: {  	p0 =	seq.s32 s10, $0x1;
	s10 =	sld [smem:$0x3FAE];
	_ =	sdelay $0x3  }
0x34: {  	[smem:$0x3FAE] =	sst s10  }
0x35: {  	s10 =	sld [smem:$0x3FAD];
	_ =	sdelay $0x3  }
0x36: {  	p1 =	seq.s32 s10, $0x1;
	s10 =	sld [smem:$0x3FAE];
	_ =	sdelay $0x3  }
0x37: {  	[smem:$0x3FAE] =	sst s10  }
0x38: {  	s10 =	sld [smem:$0x3FAF]  }
0x39: {  	_ = 	snop;
	(pc) =	sbr.ind lr, $3  }
0x3a: {  	_ = 	snop  }
0x3b: {  	_ = 	snop  }
0x3c: {  	p2 =	seq.s32 s10, $0x1;
	s10 =	sld [smem:$0x3FAE]  }
0x3d: {  	_ =	shalt  }
0x3e: {  	_ =	shalt  }
0x3f: {  	_ =	shalt  }
0x40: {  	_ =	shalt  }
0x41: {  	_ =	shalt  }
0x42: {  	_ =	shalt  }
0x43: {  	_ =	shalt  }
0x44: {  	_ =	shalt  }
0x45: {  	_ =	shalt  }
0x46: {  	_ =	shalt  }
0x47: {  	_ =	shalt  }
0x48: {  	_ =	shalt  }
0x49: {  	_ =	shalt  }
0x4a: {  	_ =	shalt  }
0x4b: {  	_ =	shalt  }
0x4c: {  	_ =	shalt  }
0x4d: {  	_ =	shalt  }
0x4e: {  	_ =	shalt  }
0x4f: {  	_ =	shalt  }
0x50: {  	_ =	shalt  }
0x51: {  	_ =	shalt  }
0x52: {  	_ =	shalt  }
0x53: {  	_ =	shalt  }
0x54: {  	_ =	shalt  }
0x55: {  	_ =	shalt  }
0x56: {  	_ =	shalt  }
0x57: {  	_ =	shalt  }
0x58: {  	_ =	shalt  }
0x59: {  	_ =	shalt  }
0x5a: {  	_ =	shalt  }
0x5b: {  	_ =	shalt  }
0x5c: {  	_ =	shalt  }
0x5d: {  	_ =	shalt  }
0x5e: {  	_ =	shalt  }
0x5f: {  	_ =	shalt  }
0x60: {  	_ =	shalt  }
0x61: {  	_ =	shalt  }
0x62: {  	_ =	shalt  }
0x63: {  	_ =	shalt  }
0x64: {  	_ =	shalt  }
0x65: {  	_ =	shalt  }
0x66: {  	_ =	shalt  }
0x67: {  	_ =	shalt  }
0x68: {  	_ =	shalt  }
0x69: {  	_ =	shalt  }
0x6a: {  	_ =	shalt  }
0x6b: {  	_ =	shalt  }
0x6c: {  	_ =	shalt  }
0x6d: {  	_ =	shalt  }
0x6e: {  	_ =	shalt  }
0x6f: {  	_ =	shalt  }
0x70: {  	_ =	shalt  }
0x71: {  	_ =	shalt  }
0x72: {  	_ =	shalt  }
0x73: {  	_ =	shalt  }
0x74: {  	_ =	shalt  }
0x75: {  	_ =	shalt  }
0x76: {  	_ =	shalt  }
0x77: {  	_ =	shalt  }
0x78: {  	_ =	shalt  }
0x79: {  	_ =	shalt  }
0x7a: {  	_ =	shalt  }
0x7b: {  	_ =	shalt  }
0x7c: {  	_ =	shalt  }
0x7d: {  	_ =	shalt  }
0x7e: {  	_ =	shalt  }
0x7f: {  	_ =	shalt  }
0x80: {  	_ =	shalt  }
0x81: {  	_ =	shalt  }
0x82: {  	_ =	shalt  }
0x83: {  	_ =	shalt  }
0x84: {  	_ =	shalt  }
0x85: {  	_ =	shalt  }
0x86: {  	_ =	shalt  }
0x87: {  	_ =	shalt  }
.Lfunc_end0:
.L_simem_size_0:
called_computation_lowered:
.L_overlay_start_0:
0x88: {  	s2 =	sld [smem:$0x3FD9]  }
0x89: {  	s3 =	sld [smem:$0x3FFE];
	_ =	sdelay $0x1  }
0x8a: {  	s1 =	srdreg.scid  }
0x8b: {  	s0 =	sand.u32 $0x1, s1  }
0x8c: {  	s16 =	sshll.u32 s0, $0xA;
	s2 =	sadd.s32 s3, s2  }
0x8d: {  	s2 =	sadd.s32 s2, s16  }
0x8e: {  	[smem:$0x3FBA] =	sst s2  }
0x8f: {  	_ = 	snop  }
0x90: {  	(tm) =	ssettm $0x1  }
0x91: {  	s17 =	sld [smem:$0x3FFB];
	_ =	sdelay $0x3  }
0x92: {  	_ =	strace s17  }
0x93: {  	s2 =	sld [smem:$0x3FFC];
	_ =	sdelay $0x3  }
0x94: {  	_ =	strace s2  }
0x95: {  	s2 =	sld [smem:$0x3FFD];
	_ =	sdelay $0x3  }
0x96: {  	_ =	strace s2  }
0x97: {  	_ =	strace $0x8FFFFFFF  }
0x98: {  	s18 =	sld [smem:$0x3FDB];
	_ =	sdelay $0x1  }
0x99: {  	s19 =	simm.s32 $_scs_section_size  }
0x9a: {  	s4 =	simm.s32 $_size__tile_overlayer_lowered;
	s5 =	simm.s32 $_tile_overlayer_lowered  }
0x9b: {  	s22 =	simm.s32 $0x1BFF;
	s21 =	sshll.u32 s5, $0x1;
	s2 =	sadd.s32 s19, s18  }
0x9c: {  	s6 =	simm.s32 $0x0;
	s20 =	sshll.u32 s4, $0x1;
	s4 =	sadd.s32 s21, s2  }
0x9d: {  	[timem:s6], [sflag:s22] =	dma.local [hbm:s4], s20  }
0x9e: {  	_ =	swait.ge [sflag:s22], s20  }
0x9f: {  	s3 =	ssub.s32 $0x0, s20;
	[sflag:s22] =	ssyncset.done $0x0  }
0xa0: {  	[sflag:s22] =	ssyncadd.s32 s3;
	_ =	sdelay $0x1  }
0xa1: {  	s23 =	simm.s32 $0x1B8B  }
0xa2: {  	_ =	swait.ge [sflag:s23], $0x1  }
0xa3: {  	[sflag:s23] =	ssyncset.done $0x0  }
0xa4: {  	s25 =	simm.s32 $0x1B8E;
	s24 =	sld [smem:$0x3FFE];
	[sflag:s23] =	ssyncadd.s32 $0xFFFFFFFF  }
0xa5: {  	s26 =	simm.s32 $execute0_lowered;
	[smem:$0x3FD2] =	sst s25  }
0xa6: {  	s4 =	sshll.u32 s26, $0x1;
	_ =	strace $0x80000046;
	[dreg:$0x1] =	wrdreg $0xFFFFFFFF  }
0xa7: {  	s28 =	simm.s32 $_size_execute0_lowered;
	s2 =	sadd.s32 s2, s4;
	[dreg:$0x0] =	wrdreg $0x0  }
0xa8: {  	s4 =	sshll.u32 s28, $0x1;
	[dreg:$0x2] =	wrdreg s2  }
0xa9: {  	[dreg:$0x3] =	wrdreg s4  }
0xaa: {  	[dreg:$0x4] =	wrdreg $0xC0  }
0xab: {  	_ =	task [dreg:s6], $0x5FFFF  }
0xac: {  	[dreg:$0x1] =	wrdreg $0xFFFFFFFF  }
0xad: {  	[dreg:$0x0] =	wrdreg $0x60  }
0xae: {  	[dreg:$0x2] =	wrdreg s24  }
0xaf: {  	[dreg:$0x3] =	wrdreg $0x9  }
0xb0: {  	_ =	task.clear_ibuf [dreg:s6], $0x4FFFF;
	_ =	strace $0x90000046  }
0xb1: {  	s29 =	simm.s32 $0x9;
	_ =	strace $0x80000048  }
0xb2: {  	_ =	swait.ge [sflag:s29], $0x1  }
0xb3: {  	[sflag:s29] =	ssyncadd.s32 $0xFFFFFFFF  }
0xb4: {  	_ =	strace $0x90000048  }
0xb5: {  	_ =	sfence  }
0xb6: {  	s30 =	sld [smem:$0x0];
	_ =	sdelay $0x2  }
0xb7: {  	s31 =	sshll.u32 s1, $0xD;
	s1 =	sshrl.u32 s1, $0x2  }
0xb8: {  	s3 =	sand.u32 $0x4000, s31;
	s1 =	sadd.s32 s1, s30  }
0xb9: {  	s0 =	sor.u32 s3, s0;
	s1 =	sshll.u32 s1, $0x11  }
0xba: {  	s0 =	sor.u32 s1, s0  }
0xbb: {  	s0 =	sadd.s32 $0x8F2B, s0  }
0xbc: {  	[sflag:s0] =	ssyncadd.remote.s32 $0x1  }
0xbd: {  	_ =	sfence.sel $0xFFFF  }
0xbe: {  	[dreg:$0x0] =	wrdreg $0xFFFFFFFF;
	(pc) =	sbr.abs _section_cstart, $3  }
0xbf: {  	[dreg:$0x1] =	wrdreg $0xFFFFFFFF  }
0xc0: {  	_ =	task.clear_ibuf [dreg:s6], $0x2FFFF;
	_ =	strace $0x9FFFFFFF  }
0xc1: {  	(tm) =	ssettm $0x7FFFFFFF  }
tec
execute0_lowered:
.L_overlay_start_1:
0x0: {  	(tag) =	ssettag $0x1  }
0x1: {  	s4 =	rddreg [dreg:$0x0];
	s2 =	srdreg.scid  }
0x2: {  	s0 =	rddreg [dreg:$0x1];
	s1 =	stileid.u32  }
0x3: {  	s10 =	simm.s32 $0x1;
	s11 =	simm.s32 $0x0;
	s5 =	sand.u32 $0x1, s2  }
0x4: {  	s2 =	simm.s32 $0x0;
	s3 =	sshll.u32 s1, $0xC;
	s8 =	sshll.u32 s1, $0x13  }
0x5: {  	s6 =	sshll.u32 s5, $0xB;
	[smem:$0x7FF] =	sst s2;
	s7 =	ssub.s32 $0x2, s5  }
0x6: {  	s8 =	sadd.s32 s8, s4;
	s30 =	sshll.u32 s5, $0x12;
	s3 =	sor.u32 s6, s3  }
0x7: {  	_ =	strace $0x80000047;
	s9 =	sshrl.u32 s7, $0x1;
	s31 =	sadd.s32 s30, s8  }
0x8: {  	s8 =	simm.s32 $0x80;
	s6 =	sadd.s32 s3, s4;
	s3 =	sadd.s32 $0x22C00, s4  }
0x9: {  	s7 =	ssub.s32 s7, s9;
	s9 =	simm.s32 $0x4000;
	s4 =	sadd.s32 $0xA2C00, s6  }
0xa: {  	s5 =	smax.u32 s7, $0x1;
	s6 =	sadd.s32 $0xB2C00, s31;
	s7 =	simm.s32 $0x2  }
.LBB2_1:
0xb: {  	[tilespmem:s2], [sflag:$0x2] =	stream.linear.gather [hbm4b:s4+s2], $0x4000, $0x38;
	[tilespmem:$0x8000] =	vst v63  }
0xc: {  	_ =	swait.ge [sflag:s7], $0x4000  }
0xd: {  	[sflag:s7] =	ssyncset.done $0x0  }
0xe: {  	s12 =	simm.s32 $0x0;
	[sflag:s7] =	ssyncadd.s32 $0xFFFFC000  }
0xf: {  	[tilespmem:s9], [sflag:$0x1] =	stream.indirect.gather [hbm4b:s3+s8], $0x80, s12, s8, $0xb8;
	[tilespmem:$0x8000] =	vst v63  }
0x10: {  	_ =	swait.ge [sflag:s10], $0x4000  }
0x11: {  	[sflag:s10] =	ssyncset.done $0x0  }
0x12: {  	[sflag:s10] =	ssyncadd.s32 $0xFFFFC000  }
0x13: {  	[hbm4b:s6+s2] =	stream.linear.scatter [tilespmem:s9], [sflag:$0x2], $0x4000, $0x38;
	[tilespmem:$0x8000] =	vst v63  }
0x14: {  	s13 =	simm.s32 $0x200;
	_ =	swait.ge [sflag:s7], $0x4000  }
0x15: {  	s14 =	simm.s32 $0x400;
	s12 =	sadd.s32 $0x800, s6;
	[sflag:s7] =	ssyncset.done $0x0  }
.LBB2_2:
0x16: {  	s15 =	sshra.s32 s13, $0x2  }
0x17: {  	[sflag:s7] =	ssyncadd.s32 $0xFFFFC000;
	s13 =	smov.u32 s14;
	s16 =	sadd.s32 $0x200, s14  }
0x18: {  	[tilespmem:s9], [sflag:$0x1] =	stream.indirect.gather [hbm4b:s3+s8], $0x80, s15, s8, $0xb8;
	[tilespmem:$0x8000] =	vst v63  }
0x19: {  	p0 =	sne.s32 s14, $0xFE00;
	_ =	swait.ge [sflag:s10], $0x4000  }
.Ltmp0:
0x1a: {  	[sflag:s10] =	ssyncset.done $0x0;
	(pc) =	sbr.rel @p0 .LBB2_2-.Ltmp0, $4  }
0x1b: {  	[sflag:s10] =	ssyncadd.s32 $0xFFFFC000  }
0x1c: {  	[hbm4b:s12+s2] =	stream.linear.scatter [tilespmem:s9], [sflag:$0x2], $0x4000, $0x38;
	[tilespmem:$0x8000] =	vst v63  }
0x1d: {  	_ =	swait.ge [sflag:s7], $0x4000  }
0x1e: {  	s14 =	smov.u32 s16;
	s12 =	sadd.s32 $0x800, s12;
	[sflag:s7] =	ssyncset.done $0x0  }
0x1f: {  	s13 =	sshra.s32 s13, $0x2;
	[sflag:s7] =	ssyncadd.s32 $0xFFFFC000  }
0x20: {  	[tilespmem:s9], [sflag:$0x1] =	stream.indirect.gather [hbm4b:s3+s8], $0x80, s13, s8, $0xb8;
	[tilespmem:$0x8000] =	vst v63  }
0x21: {  	s11 =	sadd.s32 $0x1, s11;
	_ =	swait.ge [sflag:s10], $0x4000  }
0x22: {  	p0 =	sne.s32 s11, s5;
	[sflag:s10] =	ssyncset.done $0x0  }
.Ltmp1:
0x23: {  	[sflag:s10] =	ssyncadd.s32 $0xFFFFC000;
	(pc) =	sbr.rel @p0 .LBB2_1-.Ltmp1, $4  }
0x24: {  	[hbm4b:s12+s2] =	stream.linear.scatter [tilespmem:s9], [sflag:$0x2], $0x4000, $0x38;
	[tilespmem:$0x8000] =	vst v63  }
0x25: {  	_ =	swait.ge [sflag:s7], $0x4000  }
0x26: {  	[sflag:s7] =	ssyncset.done $0x0  }
0x27: {  	[sflag:s7] =	ssyncadd.s32 $0xFFFFC000  }
0x28: {  	_ =	sfence.sel $0x180000  }
0x29: {  	[bflag:$0x0] =	sbarrier.arrive $0xFFFF  }
0x2a: {  	p0 =	sne.s32 s1, $0x0;
	_ =	strace $0x90000047  }
0x2b: {  	s0 =	sadd.s32 @!p0 $0x100000, s0;
	[bflag:$0x2] =	sbarrier.arrive $0xFFFF  }
0x2c: {  	[sflag:s0] =	ssyncadd.tile.s32 @!p0 $0x1;
	_ =	shalt  }
.Lfunc_end2:
_tile_overlayer_lowered:
.L_overlay_start_2:
0x2d: {  	(tag) =	ssettag $0x2  }
0x2e: {  	s0 =	rddreg [dreg:$0x0];
	s2 =	stileid.u32  }
0x2f: {  	s1 =	rddreg [dreg:$0x1];
	p0 =	sne.s32 s2, $0x0  }
0x30: {  	s3 =	rddreg [dreg:$0x2];
	[bflag:$0x3] =	sbarrier.arrive $0xFFFF;
	s2 =	simm.s32 @!p0 $0x1C02  }
0x31: {  	[timem:s3], [sflag:s2] =	dma.local @!p0 [hbm:s0], s1  }
0x32: {  	s0 =	simm.s32 @!p0 $0x2  }
0x33: {  	_ =	swait.ge @!p0 [sflag:s0], s1  }
0x34: {  	s1 =	ssub.s32 @!p0 $0x0, s1;
	[sflag:s0] =	ssyncset.done @!p0 $0x0  }
0x35: {  	[sflag:s0] =	ssyncadd.s32 @!p0 s1  }
0x36: {  	[bflag:$0x3] =	sbarrier.arrive $0xFFFF  }
0x37: {  	_ =	shalt  }

</sc_bundles>
